<compile_context>
chip_gen: v7x
topology: tpu7x:2x2x1
jax: 0.10.2.dev20260603
libtpu: 0.0.44.dev20260713+nightly
codegen_flags: <defaults>
</compile_context>

<pallas_src>
import functools

import jax
import jax.numpy as jnp
from jax import lax
from jax.experimental import pallas as pl
from jax.experimental.pallas import tpu as pltpu
from jax.experimental.pallas import tpu_sc as plsc

N = 100000
D = 128
K = 16
BLOCK_ROWS = 12800
P = BLOCK_ROWS // 8
GRID = (N + BLOCK_ROWS - 1) // BLOCK_ROWS

_F32 = jnp.float32
_DN = (((1,), (1,)), ((), ()))

_SC_ROWS = 640
_SC_PROWS = _SC_ROWS // 8
_SC_NFULL = N // _SC_ROWS
_SC_TAIL_ROWS = N - _SC_NFULL * _SC_ROWS
_SC_TAIL_PROWS = _SC_TAIL_ROWS // 8
_SC_TAIL_PREAD = 24
_PACKED_ROWS = _SC_NFULL * _SC_PROWS + _SC_TAIL_PREAD
_SC_PER_W = 5


def _tc_body(x_ref, c_ref, o_ref):
    c = c_ref[...]
    cm = -2.0 * c
    ones_kd = jnp.ones((K, D), _F32)
    rows = []
    for j in range(8):
        xj = x_ref[pl.Slice(j, P, 8), :]
        s1 = jax.lax.dot_general(cm, xj, _DN, preferred_element_type=_F32)
        s2 = jax.lax.dot_general(ones_kd, xj * xj, _DN,
                                 preferred_element_type=_F32)
        rows.append(s1 + s2)
    u = jnp.concatenate(rows, axis=0)
    b = jnp.tile(1.0 + jnp.sum(c * c, axis=1, keepdims=True), (8, 1))
    t = jnp.maximum(u + b, 1.0)
    r = 1.0 / t
    i2 = lax.broadcasted_iota(jnp.int32, (128, 128), 0)
    j2 = lax.broadcasted_iota(jnp.int32, (128, 128), 1)
    bd = ((i2 // K) == (j2 // K)).astype(_F32)
    s = jax.lax.dot_general(bd, r, (((1,), (0,)), ((), ())),
                            preferred_element_type=_F32)
    qn = r / s
    eye = (i2 == j2).astype(_F32)
    packed = jax.lax.dot_general(qn, eye, (((0,), (0,)), ((), ())),
                                 preferred_element_type=_F32)
    o_ref[...] = packed


def _tc_packed(x, centers):
    return pl.pallas_call(
        _tc_body,
        grid=(GRID,),
        in_specs=[
            pl.BlockSpec((BLOCK_ROWS, D), lambda i: (i, 0)),
            pl.BlockSpec((K, D), lambda i: (0, 0)),
        ],
        out_specs=pl.BlockSpec((P, 128), lambda i: (i, 0)),
        out_shape=jax.ShapeDtypeStruct((_PACKED_ROWS, 128), jnp.float32),
    )(x, centers)


def _sc_place_body(packed_hbm, out_hbm, buf, buf16):
    wid = lax.axis_index("s") * 2 + lax.axis_index("c")

    out3 = out_hbm.reshape(N // 8, 8, K)

    def _repack(p, _):
        buf16[p, :, :] = buf[p, :].reshape(8, K)
        return 0

    for c in range(_SC_PER_W):
        cid = wid + 32 * c

        @pl.when(cid < _SC_NFULL)
        def _copy_chunk():
            pltpu.sync_copy(
                packed_hbm.at[pl.ds(cid * _SC_PROWS, _SC_PROWS), :], buf
            )
            lax.fori_loop(0, _SC_PROWS, _repack, 0)
            pltpu.sync_copy(
                buf16, out3.at[pl.ds(cid * _SC_PROWS, _SC_PROWS), :, :]
            )

        @pl.when(cid == _SC_NFULL)
        def _copy_tail():
            pltpu.sync_copy(
                packed_hbm.at[
                    pl.ds(_SC_NFULL * _SC_PROWS, _SC_TAIL_PREAD), :
                ],
                buf.at[pl.ds(0, _SC_TAIL_PREAD), :],
            )
            lax.fori_loop(0, _SC_TAIL_PROWS, _repack, 0)
            pltpu.sync_copy(
                buf16.at[pl.ds(0, _SC_TAIL_PROWS), :, :],
                out3.at[pl.ds(_SC_NFULL * _SC_PROWS, _SC_TAIL_PROWS), :, :],
            )


_sc_place = functools.partial(
    pl.kernel,
    out_type=jax.ShapeDtypeStruct((N, K), jnp.float32),
    mesh=plsc.VectorSubcoreMesh(core_axis_name="c", subcore_axis_name="s"),
    scratch_types=[
        pltpu.VMEM((_SC_PROWS, 128), jnp.float32),
        pltpu.VMEM((_SC_PROWS, 8, K), jnp.float32),
    ],
)(_sc_place_body)


def kernel(x, centers):
    packed = _tc_packed(x, centers)
    return _sc_place(packed)

# --- scband reference (transcript-rebuilt; emitter-appended) ---
"""Pipeline reference for scband-graph-kmeans-24592982736908 (READ-ONLY COPY).

The authoritative reference and input builder live on the scoring server;
editing this copy changes nothing except your own understanding.
"""

import jax, jax.numpy as jnp
import numpy as np

N = 100000
D = 128
K = 16
ALPHA = 1.0

def setup_inputs(seed: int = 0) -> dict:
    key = jax.random.key(seed)
    k1, k2 = jax.random.split(key)
    x = jax.random.normal(k1, (N, D), dtype=jnp.float32)
    # learned cluster centers (parameter of GraphKMeans)
    centers = jax.random.normal(k2, (K, D), dtype=jnp.float32)
    return {"x": x, "centers": centers}

def reference(x, centers):
    # DEC-style Student-t soft k-means assignment over node embeddings.
    # dist[i,k] = ||x_i - c_k||^2 computed via expansion to avoid [N,K,D] broadcast.
    x2 = jnp.sum(x * x, axis=1, keepdims=True)            # [N,1]
    c2 = jnp.sum(centers * centers, axis=1)[None, :]       # [1,K]
    dist = x2 + c2 - 2.0 * (x @ centers.T)                 # [N,K]
    dist = jnp.maximum(dist, 0.0)
    q = (1.0 + dist / ALPHA) ** (-(ALPHA + 1.0) / 2.0)
    q = q / jnp.sum(q, axis=1, keepdims=True)
    return q

if __name__ == "__main__":
    import jax
    _d = setup_inputs()
    print(jax.jit(kernel)(*tuple(_d.values())))

</pallas_src>

<mosaic_0001>
#map = affine_map<(d0, d1) -> (0, 0)>
module attributes {stable_mosaic.version = 14 : i64} {
  func.func @_sc_place_body(%arg0: i32, %arg1: i32, %arg2: memref<12504x128xf32, #tpu.memory_space<hbm>>, %arg3: memref<100000x16xf32, #tpu.memory_space<hbm>>, %arg4: memref<80x128xf32, #tpu.memory_space<vmem>>, %arg5: memref<80x8x16xf32, #tpu.memory_space<vmem>>) attributes {dimension_semantics = [#tpu.dimension_semantics<core_parallel>, #tpu.dimension_semantics<subcore_parallel>], iteration_bounds = array<i64: 2, 16>, scalar_prefetch = 0 : i64, scratch_operands = 2 : i64, tpu.core_type = #tpu.core_type<sc_vector_subcore>, window_params = [{transform_indices = #map}, {transform_indices = #map}]} {
    %mul3A = arith.constant 2 : i32
    %mul3A_0 = arith.muli %arg1, %mul3A : i32
    %add3A = arith.addi %mul3A_0, %arg0 : i32
    %add3A_1 = arith.constant 0 : i32
    %add3A_2 = arith.addi %add3A, %add3A_1 : i32
    %lt3A = arith.constant 156 : i32
    %lt3A_3 = arith.cmpi slt, %add3A_2, %lt3A : i32
    %convert_element_type3A = arith.extui %lt3A_3 : i1 to i32
    %cond3A = arith.constant 0 : i32
    %cond3A_4 = arith.cmpi ne, %convert_element_type3A, %cond3A : i32
    scf.if %cond3A_4 {
      %mul3A_57 = arith.constant 80 : i32
      %mul3A_58 = arith.muli %add3A_2, %mul3A_57 : i32
      "tpu.region"() ({
        %run_scoped3A = tpu.sem_alloc : memref<!tpu.dma_semaphore, #tpu.memory_space<semaphore_mem>>
        %dma_start3A = arith.constant 0 : i32
        %dma_start3A_67 = tpu.memref_slice %arg2[%mul3A_58, %dma_start3A] : memref<12504x128xf32, #tpu.memory_space<hbm>> -> memref<80x128xf32, #tpu.memory_space<hbm>>
        %dma_start3A_68 = arith.constant 0 : i32
        %dma_start3A_69 = tpu.memref_slice %arg2[%mul3A_58, %dma_start3A_68] : memref<12504x128xf32, #tpu.memory_space<hbm>> -> memref<80x128xf32, #tpu.memory_space<hbm>>
        tpu.enqueue_dma source(%dma_start3A_69 : memref<80x128xf32, #tpu.memory_space<hbm>>) target(%arg4 : memref<80x128xf32, #tpu.memory_space<vmem>>) target_semaphore(%run_scoped3A : memref<!tpu.dma_semaphore, #tpu.memory_space<semaphore_mem>>)
        %dma_wait3A = arith.constant 0 : i32
        %dma_wait3A_70 = tpu.memref_slice %arg2[%mul3A_58, %dma_wait3A] : memref<12504x128xf32, #tpu.memory_space<hbm>> -> memref<80x128xf32, #tpu.memory_space<hbm>>
        %dma_wait3A_71 = arith.constant 0 : i32
        %dma_wait3A_72 = tpu.memref_slice %arg2[%mul3A_58, %dma_wait3A_71] : memref<12504x128xf32, #tpu.memory_space<hbm>> -> memref<80x128xf32, #tpu.memory_space<hbm>>
        tpu.wait_dma2 semaphore(%run_scoped3A : memref<!tpu.dma_semaphore, #tpu.memory_space<semaphore_mem>>) src(%dma_wait3A_72 : memref<80x128xf32, #tpu.memory_space<hbm>>) dst(%arg4 : memref<80x128xf32, #tpu.memory_space<vmem>>)
        tpu.yield
      }) : () -> ()
      %scan3A = arith.constant 0 : i32
      %scan3A_59 = arith.constant 0 : i32
      %scan3A_60 = arith.constant 80 : i32
      %scan3A_61 = arith.addi %scan3A_59, %scan3A_60 : i32
      %scan3A_62 = arith.constant 1 : i32
      %scan3A_63 = scf.for %scan3A_67 = %scan3A_59 to %scan3A_61 step %scan3A_62 iter_args(%scan3A_68 = %scan3A) -> (i32)  : i32 {
        %get3A = arith.index_cast %scan3A_67 : i32 to index
        %get3A_69 = arith.constant 0 : index
        %get3A_70 = tpu.vector_load %arg4[%get3A, %get3A_69] {strides = array<i32>} : memref<80x128xf32, #tpu.memory_space<vmem>>, vector<1x128xf32>,
        %get3A_71 = vector.shape_cast %get3A_70 : vector<1x128xf32> to vector<128xf32>
        %reshape3A = vector.shape_cast %get3A_71 : vector<128xf32> to vector<8x16xf32>
        %swap3A = arith.index_cast %scan3A_67 : i32 to index
        %swap3A_72 = arith.constant 0 : index
        %swap3A_73 = arith.constant 0 : index
        %swap3A_74 = tpu.vector_load %arg5[%swap3A, %swap3A_72, %swap3A_73] {strides = array<i32>} : memref<80x8x16xf32, #tpu.memory_space<vmem>>, vector<1x8x16xf32>,
        %swap3A_75 = vector.shape_cast %swap3A_74 : vector<1x8x16xf32> to vector<8x16xf32>
        %swap3A_76 = vector.shape_cast %reshape3A : vector<8x16xf32> to vector<1x8x16xf32>
        tpu.vector_store %arg5[%swap3A, %swap3A_72, %swap3A_73], %swap3A_76 {strides = array<i32>} : memref<80x8x16xf32, #tpu.memory_space<vmem>>, vector<1x8x16xf32>,
        %scan3A_77 = arith.constant 0 : i32
        scf.yield %scan3A_77 : i32
      }
      %scan3A_64 = arith.constant 80 : i32
      %mul3A_65 = arith.constant 80 : i32
      %mul3A_66 = arith.muli %add3A_2, %mul3A_65 : i32
      "tpu.region"() ({
        %run_scoped3A = tpu.sem_alloc : memref<!tpu.dma_semaphore, #tpu.memory_space<semaphore_mem>>
        %dma_start3A = tpu.memref_reshape %arg3 : memref<100000x16xf32, #tpu.memory_space<hbm>> -> memref<12500x8x16xf32, #tpu.memory_space<hbm>>
        %dma_start3A_67 = arith.constant 0 : i32
        %dma_start3A_68 = arith.constant 0 : i32
        %dma_start3A_69 = tpu.memref_slice %dma_start3A[%mul3A_66, %dma_start3A_67, %dma_start3A_68] : memref<12500x8x16xf32, #tpu.memory_space<hbm>> -> memref<80x8x16xf32, #tpu.memory_space<hbm>>
        %dma_start3A_70 = tpu.memref_reshape %arg3 : memref<100000x16xf32, #tpu.memory_space<hbm>> -> memref<12500x8x16xf32, #tpu.memory_space<hbm>>
        %dma_start3A_71 = arith.constant 0 : i32
        %dma_start3A_72 = arith.constant 0 : i32
        %dma_start3A_73 = tpu.memref_slice %dma_start3A_70[%mul3A_66, %dma_start3A_71, %dma_start3A_72] : memref<12500x8x16xf32, #tpu.memory_space<hbm>> -> memref<80x8x16xf32, #tpu.memory_space<hbm>>
        tpu.enqueue_dma source(%arg5 : memref<80x8x16xf32, #tpu.memory_space<vmem>>) target(%dma_start3A_73 : memref<80x8x16xf32, #tpu.memory_space<hbm>>) target_semaphore(%run_scoped3A : memref<!tpu.dma_semaphore, #tpu.memory_space<semaphore_mem>>)
        %dma_wait3A = tpu.memref_reshape %arg3 : memref<100000x16xf32, #tpu.memory_space<hbm>> -> memref<12500x8x16xf32, #tpu.memory_space<hbm>>
        %dma_wait3A_74 = arith.constant 0 : i32
        %dma_wait3A_75 = arith.constant 0 : i32
        %dma_wait3A_76 = tpu.memref_slice %dma_wait3A[%mul3A_66, %dma_wait3A_74, %dma_wait3A_75] : memref<12500x8x16xf32, #tpu.memory_space<hbm>> -> memref<80x8x16xf32, #tpu.memory_space<hbm>>
        %dma_wait3A_77 = tpu.memref_reshape %arg3 : memref<100000x16xf32, #tpu.memory_space<hbm>> -> memref<12500x8x16xf32, #tpu.memory_space<hbm>>
        %dma_wait3A_78 = arith.constant 0 : i32
        %dma_wait3A_79 = arith.constant 0 : i32
        %dma_wait3A_80 = tpu.memref_slice %dma_wait3A_77[%mul3A_66, %dma_wait3A_78, %dma_wait3A_79] : memref<12500x8x16xf32, #tpu.memory_space<hbm>> -> memref<80x8x16xf32, #tpu.memory_space<hbm>>
        tpu.wait_dma2 semaphore(%run_scoped3A : memref<!tpu.dma_semaphore, #tpu.memory_space<semaphore_mem>>) src(%arg5 : memref<80x8x16xf32, #tpu.memory_space<vmem>>) dst(%dma_wait3A_80 : memref<80x8x16xf32, #tpu.memory_space<hbm>>)
        tpu.yield
      }) : () -> ()
    } else {
    }
    %eq3A = arith.constant 156 : i32
    %eq3A_5 = arith.cmpi eq, %add3A_2, %eq3A : i32
    %convert_element_type3A_6 = arith.extui %eq3A_5 : i1 to i32
    %cond3A_7 = arith.constant 0 : i32
    %cond3A_8 = arith.cmpi ne, %convert_element_type3A_6, %cond3A_7 : i32
    scf.if %cond3A_8 {
      "tpu.region"() ({
        %run_scoped3A = tpu.sem_alloc : memref<!tpu.dma_semaphore, #tpu.memory_space<semaphore_mem>>
        %dma_start3A = arith.constant 0 : i32
        %dma_start3A_63 = arith.constant 0 : i32
        %dma_start3A_64 = tpu.memref_slice %arg4[%dma_start3A, %dma_start3A_63] : memref<80x128xf32, #tpu.memory_space<vmem>> -> memref<24x128xf32, #tpu.memory_space<vmem>>
        %dma_start3A_65 = arith.constant 12480 : i32
        %dma_start3A_66 = arith.constant 0 : i32
        %dma_start3A_67 = tpu.memref_slice %arg2[%dma_start3A_65, %dma_start3A_66] : memref<12504x128xf32, #tpu.memory_space<hbm>> -> memref<24x128xf32, #tpu.memory_space<hbm>>
        %dma_start3A_68 = arith.constant 0 : i32
        %dma_start3A_69 = arith.constant 0 : i32
        %dma_start3A_70 = tpu.memref_slice %arg4[%dma_start3A_68, %dma_start3A_69] : memref<80x128xf32, #tpu.memory_space<vmem>> -> memref<24x128xf32, #tpu.memory_space<vmem>>
        %dma_start3A_71 = arith.constant 12480 : i32
        %dma_start3A_72 = arith.constant 0 : i32
        %dma_start3A_73 = tpu.memref_slice %arg2[%dma_start3A_71, %dma_start3A_72] : memref<12504x128xf32, #tpu.memory_space<hbm>> -> memref<24x128xf32, #tpu.memory_space<hbm>>
        tpu.enqueue_dma source(%dma_start3A_73 : memref<24x128xf32, #tpu.memory_space<hbm>>) target(%dma_start3A_70 : memref<24x128xf32, #tpu.memory_space<vmem>>) target_semaphore(%run_scoped3A : memref<!tpu.dma_semaphore, #tpu.memory_space<semaphore_mem>>)
        %dma_wait3A = arith.constant 0 : i32
        %dma_wait3A_74 = arith.constant 0 : i32
        %dma_wait3A_75 = tpu.memref_slice %arg4[%dma_wait3A, %dma_wait3A_74] : memref<80x128xf32, #tpu.memory_space<vmem>> -> memref<24x128xf32, #tpu.memory_space<vmem>>
        %dma_wait3A_76 = arith.constant 12480 : i32
        %dma_wait3A_77 = arith.constant 0 : i32
        %dma_wait3A_78 = tpu.memref_slice %arg2[%dma_wait3A_76, %dma_wait3A_77] : memref<12504x128xf32, #tpu.memory_space<hbm>> -> memref<24x128xf32, #tpu.memory_space<hbm>>
        %dma_wait3A_79 = arith.constant 0 : i32
        %dma_wait3A_80 = arith.constant 0 : i32
        %dma_wait3A_81 = tpu.memref_slice %arg4[%dma_wait3A_79, %dma_wait3A_80] : memref<80x128xf32, #tpu.memory_space<vmem>> -> memref<24x128xf32, #tpu.memory_space<vmem>>
        %dma_wait3A_82 = arith.constant 12480 : i32
        %dma_wait3A_83 = arith.constant 0 : i32
        %dma_wait3A_84 = tpu.memref_slice %arg2[%dma_wait3A_82, %dma_wait3A_83] : memref<12504x128xf32, #tpu.memory_space<hbm>> -> memref<24x128xf32, #tpu.memory_space<hbm>>
        tpu.wait_dma2 semaphore(%run_scoped3A : memref<!tpu.dma_semaphore, #tpu.memory_space<semaphore_mem>>) src(%dma_wait3A_84 : memref<24x128xf32, #tpu.memory_space<hbm>>) dst(%dma_wait3A_81 : memref<24x128xf32, #tpu.memory_space<vmem>>)
        tpu.yield
      }) : () -> ()
      %scan3A = arith.constant 0 : i32
      %scan3A_57 = arith.constant 0 : i32
      %scan3A_58 = arith.constant 20 : i32
      %scan3A_59 = arith.addi %scan3A_57, %scan3A_58 : i32
      %scan3A_60 = arith.constant 1 : i32
      %scan3A_61 = scf.for %scan3A_63 = %scan3A_57 to %scan3A_59 step %scan3A_60 iter_args(%scan3A_64 = %scan3A) -> (i32)  : i32 {
        %get3A = arith.index_cast %scan3A_63 : i32 to index
        %get3A_65 = arith.constant 0 : index
        %get3A_66 = tpu.vector_load %arg4[%get3A, %get3A_65] {strides = array<i32>} : memref<80x128xf32, #tpu.memory_space<vmem>>, vector<1x128xf32>,
        %get3A_67 = vector.shape_cast %get3A_66 : vector<1x128xf32> to vector<128xf32>
        %reshape3A = vector.shape_cast %get3A_67 : vector<128xf32> to vector<8x16xf32>
        %swap3A = arith.index_cast %scan3A_63 : i32 to index
        %swap3A_68 = arith.constant 0 : index
        %swap3A_69 = arith.constant 0 : index
        %swap3A_70 = tpu.vector_load %arg5[%swap3A, %swap3A_68, %swap3A_69] {strides = array<i32>} : memref<80x8x16xf32, #tpu.memory_space<vmem>>, vector<1x8x16xf32>,
        %swap3A_71 = vector.shape_cast %swap3A_70 : vector<1x8x16xf32> to vector<8x16xf32>
        %swap3A_72 = vector.shape_cast %reshape3A : vector<8x16xf32> to vector<1x8x16xf32>
        tpu.vector_store %arg5[%swap3A, %swap3A_68, %swap3A_69], %swap3A_72 {strides = array<i32>} : memref<80x8x16xf32, #tpu.memory_space<vmem>>, vector<1x8x16xf32>,
        %scan3A_73 = arith.constant 0 : i32
        scf.yield %scan3A_73 : i32
      }
      %scan3A_62 = arith.constant 20 : i32
      "tpu.region"() ({
        %run_scoped3A = tpu.sem_alloc : memref<!tpu.dma_semaphore, #tpu.memory_space<semaphore_mem>>
        %dma_start3A = arith.constant 0 : i32
        %dma_start3A_63 = arith.constant 0 : i32
        %dma_start3A_64 = arith.constant 0 : i32
        %dma_start3A_65 = tpu.memref_slice %arg5[%dma_start3A, %dma_start3A_63, %dma_start3A_64] : memref<80x8x16xf32, #tpu.memory_space<vmem>> -> memref<20x8x16xf32, #tpu.memory_space<vmem>>
        %dma_start3A_66 = tpu.memref_reshape %arg3 : memref<100000x16xf32, #tpu.memory_space<hbm>> -> memref<12500x8x16xf32, #tpu.memory_space<hbm>>
        %dma_start3A_67 = arith.constant 12480 : i32
        %dma_start3A_68 = arith.constant 0 : i32
        %dma_start3A_69 = arith.constant 0 : i32
        %dma_start3A_70 = tpu.memref_slice %dma_start3A_66[%dma_start3A_67, %dma_start3A_68, %dma_start3A_69] : memref<12500x8x16xf32, #tpu.memory_space<hbm>> -> memref<20x8x16xf32, #tpu.memory_space<hbm>>
        %dma_start3A_71 = tpu.memref_reshape %arg3 : memref<100000x16xf32, #tpu.memory_space<hbm>> -> memref<12500x8x16xf32, #tpu.memory_space<hbm>>
        %dma_start3A_72 = arith.constant 12480 : i32
        %dma_start3A_73 = arith.constant 0 : i32
        %dma_start3A_74 = arith.constant 0 : i32
        %dma_start3A_75 = tpu.memref_slice %dma_start3A_71[%dma_start3A_72, %dma_start3A_73, %dma_start3A_74] : memref<12500x8x16xf32, #tpu.memory_space<hbm>> -> memref<20x8x16xf32, #tpu.memory_space<hbm>>
        %dma_start3A_76 = arith.constant 0 : i32
        %dma_start3A_77 = arith.constant 0 : i32
        %dma_start3A_78 = arith.constant 0 : i32
        %dma_start3A_79 = tpu.memref_slice %arg5[%dma_start3A_76, %dma_start3A_77, %dma_start3A_78] : memref<80x8x16xf32, #tpu.memory_space<vmem>> -> memref<20x8x16xf32, #tpu.memory_space<vmem>>
        tpu.enqueue_dma source(%dma_start3A_79 : memref<20x8x16xf32, #tpu.memory_space<vmem>>) target(%dma_start3A_75 : memref<20x8x16xf32, #tpu.memory_space<hbm>>) target_semaphore(%run_scoped3A : memref<!tpu.dma_semaphore, #tpu.memory_space<semaphore_mem>>)
        %dma_wait3A = arith.constant 0 : i32
        %dma_wait3A_80 = arith.constant 0 : i32
        %dma_wait3A_81 = arith.constant 0 : i32
        %dma_wait3A_82 = tpu.memref_slice %arg5[%dma_wait3A, %dma_wait3A_80, %dma_wait3A_81] : memref<80x8x16xf32, #tpu.memory_space<vmem>> -> memref<20x8x16xf32, #tpu.memory_space<vmem>>
        %dma_wait3A_83 = tpu.memref_reshape %arg3 : memref<100000x16xf32, #tpu.memory_space<hbm>> -> memref<12500x8x16xf32, #tpu.memory_space<hbm>>
        %dma_wait3A_84 = arith.constant 12480 : i32
        %dma_wait3A_85 = arith.constant 0 : i32
        %dma_wait3A_86 = arith.constant 0 : i32
        %dma_wait3A_87 = tpu.memref_slice %dma_wait3A_83[%dma_wait3A_84, %dma_wait3A_85, %dma_wait3A_86] : memref<12500x8x16xf32, #tpu.memory_space<hbm>> -> memref<20x8x16xf32, #tpu.memory_space<hbm>>
        %dma_wait3A_88 = tpu.memref_reshape %arg3 : memref<100000x16xf32, #tpu.memory_space<hbm>> -> memref<12500x8x16xf32, #tpu.memory_space<hbm>>
        %dma_wait3A_89 = arith.constant 12480 : i32
        %dma_wait3A_90 = arith.constant 0 : i32
        %dma_wait3A_91 = arith.constant 0 : i32
        %dma_wait3A_92 = tpu.memref_slice %dma_wait3A_88[%dma_wait3A_89, %dma_wait3A_90, %dma_wait3A_91] : memref<12500x8x16xf32, #tpu.memory_space<hbm>> -> memref<20x8x16xf32, #tpu.memory_space<hbm>>
        %dma_wait3A_93 = arith.constant 0 : i32
        %dma_wait3A_94 = arith.constant 0 : i32
        %dma_wait3A_95 = arith.constant 0 : i32
        %dma_wait3A_96 = tpu.memref_slice %arg5[%dma_wait3A_93, %dma_wait3A_94, %dma_wait3A_95] : memref<80x8x16xf32, #tpu.memory_space<vmem>> -> memref<20x8x16xf32, #tpu.memory_space<vmem>>
        tpu.wait_dma2 semaphore(%run_scoped3A : memref<!tpu.dma_semaphore, #tpu.memory_space<semaphore_mem>>) src(%dma_wait3A_96 : memref<20x8x16xf32, #tpu.memory_space<vmem>>) dst(%dma_wait3A_92 : memref<20x8x16xf32, #tpu.memory_space<hbm>>)
        tpu.yield
      }) : () -> ()
    } else {
    }
    %add3A_9 = arith.constant 32 : i32
    %add3A_10 = arith.addi %add3A, %add3A_9 : i32
    %lt3A_11 = arith.constant 156 : i32
    %lt3A_12 = arith.cmpi slt, %add3A_10, %lt3A_11 : i32
    %convert_element_type3A_13 = arith.extui %lt3A_12 : i1 to i32
    %cond3A_14 = arith.constant 0 : i32
    %cond3A_15 = arith.cmpi ne, %convert_element_type3A_13, %cond3A_14 : i32
    scf.if %cond3A_15 {
      %mul3A_57 = arith.constant 80 : i32
      %mul3A_58 = arith.muli %add3A_10, %mul3A_57 : i32
      "tpu.region"() ({
        %run_scoped3A = tpu.sem_alloc : memref<!tpu.dma_semaphore, #tpu.memory_space<semaphore_mem>>
        %dma_start3A = arith.constant 0 : i32
        %dma_start3A_67 = tpu.memref_slice %arg2[%mul3A_58, %dma_start3A] : memref<12504x128xf32, #tpu.memory_space<hbm>> -> memref<80x128xf32, #tpu.memory_space<hbm>>
        %dma_start3A_68 = arith.constant 0 : i32
        %dma_start3A_69 = tpu.memref_slice %arg2[%mul3A_58, %dma_start3A_68] : memref<12504x128xf32, #tpu.memory_space<hbm>> -> memref<80x128xf32, #tpu.memory_space<hbm>>
        tpu.enqueue_dma source(%dma_start3A_69 : memref<80x128xf32, #tpu.memory_space<hbm>>) target(%arg4 : memref<80x128xf32, #tpu.memory_space<vmem>>) target_semaphore(%run_scoped3A : memref<!tpu.dma_semaphore, #tpu.memory_space<semaphore_mem>>)
        %dma_wait3A = arith.constant 0 : i32
        %dma_wait3A_70 = tpu.memref_slice %arg2[%mul3A_58, %dma_wait3A] : memref<12504x128xf32, #tpu.memory_space<hbm>> -> memref<80x128xf32, #tpu.memory_space<hbm>>
        %dma_wait3A_71 = arith.constant 0 : i32
        %dma_wait3A_72 = tpu.memref_slice %arg2[%mul3A_58, %dma_wait3A_71] : memref<12504x128xf32, #tpu.memory_space<hbm>> -> memref<80x128xf32, #tpu.memory_space<hbm>>
        tpu.wait_dma2 semaphore(%run_scoped3A : memref<!tpu.dma_semaphore, #tpu.memory_space<semaphore_mem>>) src(%dma_wait3A_72 : memref<80x128xf32, #tpu.memory_space<hbm>>) dst(%arg4 : memref<80x128xf32, #tpu.memory_space<vmem>>)
        tpu.yield
      }) : () -> ()
      %scan3A = arith.constant 0 : i32
      %scan3A_59 = arith.constant 0 : i32
      %scan3A_60 = arith.constant 80 : i32
      %scan3A_61 = arith.addi %scan3A_59, %scan3A_60 : i32
      %scan3A_62 = arith.constant 1 : i32
      %scan3A_63 = scf.for %scan3A_67 = %scan3A_59 to %scan3A_61 step %scan3A_62 iter_args(%scan3A_68 = %scan3A) -> (i32)  : i32 {
        %get3A = arith.index_cast %scan3A_67 : i32 to index
        %get3A_69 = arith.constant 0 : index
        %get3A_70 = tpu.vector_load %arg4[%get3A, %get3A_69] {strides = array<i32>} : memref<80x128xf32, #tpu.memory_space<vmem>>, vector<1x128xf32>,
        %get3A_71 = vector.shape_cast %get3A_70 : vector<1x128xf32> to vector<128xf32>
        %reshape3A = vector.shape_cast %get3A_71 : vector<128xf32> to vector<8x16xf32>
        %swap3A = arith.index_cast %scan3A_67 : i32 to index
        %swap3A_72 = arith.constant 0 : index
        %swap3A_73 = arith.constant 0 : index
        %swap3A_74 = tpu.vector_load %arg5[%swap3A, %swap3A_72, %swap3A_73] {strides = array<i32>} : memref<80x8x16xf32, #tpu.memory_space<vmem>>, vector<1x8x16xf32>,
        %swap3A_75 = vector.shape_cast %swap3A_74 : vector<1x8x16xf32> to vector<8x16xf32>
        %swap3A_76 = vector.shape_cast %reshape3A : vector<8x16xf32> to vector<1x8x16xf32>
        tpu.vector_store %arg5[%swap3A, %swap3A_72, %swap3A_73], %swap3A_76 {strides = array<i32>} : memref<80x8x16xf32, #tpu.memory_space<vmem>>, vector<1x8x16xf32>,
        %scan3A_77 = arith.constant 0 : i32
        scf.yield %scan3A_77 : i32
      }
      %scan3A_64 = arith.constant 80 : i32
      %mul3A_65 = arith.constant 80 : i32
      %mul3A_66 = arith.muli %add3A_10, %mul3A_65 : i32
      "tpu.region"() ({
        %run_scoped3A = tpu.sem_alloc : memref<!tpu.dma_semaphore, #tpu.memory_space<semaphore_mem>>
        %dma_start3A = tpu.memref_reshape %arg3 : memref<100000x16xf32, #tpu.memory_space<hbm>> -> memref<12500x8x16xf32, #tpu.memory_space<hbm>>
        %dma_start3A_67 = arith.constant 0 : i32
        %dma_start3A_68 = arith.constant 0 : i32
        %dma_start3A_69 = tpu.memref_slice %dma_start3A[%mul3A_66, %dma_start3A_67, %dma_start3A_68] : memref<12500x8x16xf32, #tpu.memory_space<hbm>> -> memref<80x8x16xf32, #tpu.memory_space<hbm>>
        %dma_start3A_70 = tpu.memref_reshape %arg3 : memref<100000x16xf32, #tpu.memory_space<hbm>> -> memref<12500x8x16xf32, #tpu.memory_space<hbm>>
        %dma_start3A_71 = arith.constant 0 : i32
        %dma_start3A_72 = arith.constant 0 : i32
        %dma_start3A_73 = tpu.memref_slice %dma_start3A_70[%mul3A_66, %dma_start3A_71, %dma_start3A_72] : memref<12500x8x16xf32, #tpu.memory_space<hbm>> -> memref<80x8x16xf32, #tpu.memory_space<hbm>>
        tpu.enqueue_dma source(%arg5 : memref<80x8x16xf32, #tpu.memory_space<vmem>>) target(%dma_start3A_73 : memref<80x8x16xf32, #tpu.memory_space<hbm>>) target_semaphore(%run_scoped3A : memref<!tpu.dma_semaphore, #tpu.memory_space<semaphore_mem>>)
        %dma_wait3A = tpu.memref_reshape %arg3 : memref<100000x16xf32, #tpu.memory_space<hbm>> -> memref<12500x8x16xf32, #tpu.memory_space<hbm>>
        %dma_wait3A_74 = arith.constant 0 : i32
        %dma_wait3A_75 = arith.constant 0 : i32
        %dma_wait3A_76 = tpu.memref_slice %dma_wait3A[%mul3A_66, %dma_wait3A_74, %dma_wait3A_75] : memref<12500x8x16xf32, #tpu.memory_space<hbm>> -> memref<80x8x16xf32, #tpu.memory_space<hbm>>
        %dma_wait3A_77 = tpu.memref_reshape %arg3 : memref<100000x16xf32, #tpu.memory_space<hbm>> -> memref<12500x8x16xf32, #tpu.memory_space<hbm>>
        %dma_wait3A_78 = arith.constant 0 : i32
        %dma_wait3A_79 = arith.constant 0 : i32
        %dma_wait3A_80 = tpu.memref_slice %dma_wait3A_77[%mul3A_66, %dma_wait3A_78, %dma_wait3A_79] : memref<12500x8x16xf32, #tpu.memory_space<hbm>> -> memref<80x8x16xf32, #tpu.memory_space<hbm>>
        tpu.wait_dma2 semaphore(%run_scoped3A : memref<!tpu.dma_semaphore, #tpu.memory_space<semaphore_mem>>) src(%arg5 : memref<80x8x16xf32, #tpu.memory_space<vmem>>) dst(%dma_wait3A_80 : memref<80x8x16xf32, #tpu.memory_space<hbm>>)
        tpu.yield
      }) : () -> ()
    } else {
    }
    %eq3A_16 = arith.constant 156 : i32
    %eq3A_17 = arith.cmpi eq, %add3A_10, %eq3A_16 : i32
    %convert_element_type3A_18 = arith.extui %eq3A_17 : i1 to i32
    %cond3A_19 = arith.constant 0 : i32
    %cond3A_20 = arith.cmpi ne, %convert_element_type3A_18, %cond3A_19 : i32
    scf.if %cond3A_20 {
      "tpu.region"() ({
        %run_scoped3A = tpu.sem_alloc : memref<!tpu.dma_semaphore, #tpu.memory_space<semaphore_mem>>
        %dma_start3A = arith.constant 0 : i32
        %dma_start3A_63 = arith.constant 0 : i32
        %dma_start3A_64 = tpu.memref_slice %arg4[%dma_start3A, %dma_start3A_63] : memref<80x128xf32, #tpu.memory_space<vmem>> -> memref<24x128xf32, #tpu.memory_space<vmem>>
        %dma_start3A_65 = arith.constant 12480 : i32
        %dma_start3A_66 = arith.constant 0 : i32
        %dma_start3A_67 = tpu.memref_slice %arg2[%dma_start3A_65, %dma_start3A_66] : memref<12504x128xf32, #tpu.memory_space<hbm>> -> memref<24x128xf32, #tpu.memory_space<hbm>>
        %dma_start3A_68 = arith.constant 0 : i32
        %dma_start3A_69 = arith.constant 0 : i32
        %dma_start3A_70 = tpu.memref_slice %arg4[%dma_start3A_68, %dma_start3A_69] : memref<80x128xf32, #tpu.memory_space<vmem>> -> memref<24x128xf32, #tpu.memory_space<vmem>>
        %dma_start3A_71 = arith.constant 12480 : i32
        %dma_start3A_72 = arith.constant 0 : i32
        %dma_start3A_73 = tpu.memref_slice %arg2[%dma_start3A_71, %dma_start3A_72] : memref<12504x128xf32, #tpu.memory_space<hbm>> -> memref<24x128xf32, #tpu.memory_space<hbm>>
        tpu.enqueue_dma source(%dma_start3A_73 : memref<24x128xf32, #tpu.memory_space<hbm>>) target(%dma_start3A_70 : memref<24x128xf32, #tpu.memory_space<vmem>>) target_semaphore(%run_scoped3A : memref<!tpu.dma_semaphore, #tpu.memory_space<semaphore_mem>>)
        %dma_wait3A = arith.constant 0 : i32
        %dma_wait3A_74 = arith.constant 0 : i32
        %dma_wait3A_75 = tpu.memref_slice %arg4[%dma_wait3A, %dma_wait3A_74] : memref<80x128xf32, #tpu.memory_space<vmem>> -> memref<24x128xf32, #tpu.memory_space<vmem>>
        %dma_wait3A_76 = arith.constant 12480 : i32
        %dma_wait3A_77 = arith.constant 0 : i32
        %dma_wait3A_78 = tpu.memref_slice %arg2[%dma_wait3A_76, %dma_wait3A_77] : memref<12504x128xf32, #tpu.memory_space<hbm>> -> memref<24x128xf32, #tpu.memory_space<hbm>>
        %dma_wait3A_79 = arith.constant 0 : i32
        %dma_wait3A_80 = arith.constant 0 : i32
        %dma_wait3A_81 = tpu.memref_slice %arg4[%dma_wait3A_79, %dma_wait3A_80] : memref<80x128xf32, #tpu.memory_space<vmem>> -> memref<24x128xf32, #tpu.memory_space<vmem>>
        %dma_wait3A_82 = arith.constant 12480 : i32
        %dma_wait3A_83 = arith.constant 0 : i32
        %dma_wait3A_84 = tpu.memref_slice %arg2[%dma_wait3A_82, %dma_wait3A_83] : memref<12504x128xf32, #tpu.memory_space<hbm>> -> memref<24x128xf32, #tpu.memory_space<hbm>>
        tpu.wait_dma2 semaphore(%run_scoped3A : memref<!tpu.dma_semaphore, #tpu.memory_space<semaphore_mem>>) src(%dma_wait3A_84 : memref<24x128xf32, #tpu.memory_space<hbm>>) dst(%dma_wait3A_81 : memref<24x128xf32, #tpu.memory_space<vmem>>)
        tpu.yield
      }) : () -> ()
      %scan3A = arith.constant 0 : i32
      %scan3A_57 = arith.constant 0 : i32
      %scan3A_58 = arith.constant 20 : i32
      %scan3A_59 = arith.addi %scan3A_57, %scan3A_58 : i32
      %scan3A_60 = arith.constant 1 : i32
      %scan3A_61 = scf.for %scan3A_63 = %scan3A_57 to %scan3A_59 step %scan3A_60 iter_args(%scan3A_64 = %scan3A) -> (i32)  : i32 {
        %get3A = arith.index_cast %scan3A_63 : i32 to index
        %get3A_65 = arith.constant 0 : index
        %get3A_66 = tpu.vector_load %arg4[%get3A, %get3A_65] {strides = array<i32>} : memref<80x128xf32, #tpu.memory_space<vmem>>, vector<1x128xf32>,
        %get3A_67 = vector.shape_cast %get3A_66 : vector<1x128xf32> to vector<128xf32>
        %reshape3A = vector.shape_cast %get3A_67 : vector<128xf32> to vector<8x16xf32>
        %swap3A = arith.index_cast %scan3A_63 : i32 to index
        %swap3A_68 = arith.constant 0 : index
        %swap3A_69 = arith.constant 0 : index
        %swap3A_70 = tpu.vector_load %arg5[%swap3A, %swap3A_68, %swap3A_69] {strides = array<i32>} : memref<80x8x16xf32, #tpu.memory_space<vmem>>, vector<1x8x16xf32>,
        %swap3A_71 = vector.shape_cast %swap3A_70 : vector<1x8x16xf32> to vector<8x16xf32>
        %swap3A_72 = vector.shape_cast %reshape3A : vector<8x16xf32> to vector<1x8x16xf32>
        tpu.vector_store %arg5[%swap3A, %swap3A_68, %swap3A_69], %swap3A_72 {strides = array<i32>} : memref<80x8x16xf32, #tpu.memory_space<vmem>>, vector<1x8x16xf32>,
        %scan3A_73 = arith.constant 0 : i32
        scf.yield %scan3A_73 : i32
      }
      %scan3A_62 = arith.constant 20 : i32
      "tpu.region"() ({
        %run_scoped3A = tpu.sem_alloc : memref<!tpu.dma_semaphore, #tpu.memory_space<semaphore_mem>>
        %dma_start3A = arith.constant 0 : i32
        %dma_start3A_63 = arith.constant 0 : i32
        %dma_start3A_64 = arith.constant 0 : i32
        %dma_start3A_65 = tpu.memref_slice %arg5[%dma_start3A, %dma_start3A_63, %dma_start3A_64] : memref<80x8x16xf32, #tpu.memory_space<vmem>> -> memref<20x8x16xf32, #tpu.memory_space<vmem>>
        %dma_start3A_66 = tpu.memref_reshape %arg3 : memref<100000x16xf32, #tpu.memory_space<hbm>> -> memref<12500x8x16xf32, #tpu.memory_space<hbm>>
        %dma_start3A_67 = arith.constant 12480 : i32
        %dma_start3A_68 = arith.constant 0 : i32
        %dma_start3A_69 = arith.constant 0 : i32
        %dma_start3A_70 = tpu.memref_slice %dma_start3A_66[%dma_start3A_67, %dma_start3A_68, %dma_start3A_69] : memref<12500x8x16xf32, #tpu.memory_space<hbm>> -> memref<20x8x16xf32, #tpu.memory_space<hbm>>
        %dma_start3A_71 = tpu.memref_reshape %arg3 : memref<100000x16xf32, #tpu.memory_space<hbm>> -> memref<12500x8x16xf32, #tpu.memory_space<hbm>>
        %dma_start3A_72 = arith.constant 12480 : i32
        %dma_start3A_73 = arith.constant 0 : i32
        %dma_start3A_74 = arith.constant 0 : i32
        %dma_start3A_75 = tpu.memref_slice %dma_start3A_71[%dma_start3A_72, %dma_start3A_73, %dma_start3A_74] : memref<12500x8x16xf32, #tpu.memory_space<hbm>> -> memref<20x8x16xf32, #tpu.memory_space<hbm>>
        %dma_start3A_76 = arith.constant 0 : i32
        %dma_start3A_77 = arith.constant 0 : i32
        %dma_start3A_78 = arith.constant 0 : i32
        %dma_start3A_79 = tpu.memref_slice %arg5[%dma_start3A_76, %dma_start3A_77, %dma_start3A_78] : memref<80x8x16xf32, #tpu.memory_space<vmem>> -> memref<20x8x16xf32, #tpu.memory_space<vmem>>
        tpu.enqueue_dma source(%dma_start3A_79 : memref<20x8x16xf32, #tpu.memory_space<vmem>>) target(%dma_start3A_75 : memref<20x8x16xf32, #tpu.memory_space<hbm>>) target_semaphore(%run_scoped3A : memref<!tpu.dma_semaphore, #tpu.memory_space<semaphore_mem>>)
        %dma_wait3A = arith.constant 0 : i32
        %dma_wait3A_80 = arith.constant 0 : i32
        %dma_wait3A_81 = arith.constant 0 : i32
        %dma_wait3A_82 = tpu.memref_slice %arg5[%dma_wait3A, %dma_wait3A_80, %dma_wait3A_81] : memref<80x8x16xf32, #tpu.memory_space<vmem>> -> memref<20x8x16xf32, #tpu.memory_space<vmem>>
        %dma_wait3A_83 = tpu.memref_reshape %arg3 : memref<100000x16xf32, #tpu.memory_space<hbm>> -> memref<12500x8x16xf32, #tpu.memory_space<hbm>>
        %dma_wait3A_84 = arith.constant 12480 : i32
        %dma_wait3A_85 = arith.constant 0 : i32
        %dma_wait3A_86 = arith.constant 0 : i32
        %dma_wait3A_87 = tpu.memref_slice %dma_wait3A_83[%dma_wait3A_84, %dma_wait3A_85, %dma_wait3A_86] : memref<12500x8x16xf32, #tpu.memory_space<hbm>> -> memref<20x8x16xf32, #tpu.memory_space<hbm>>
        %dma_wait3A_88 = tpu.memref_reshape %arg3 : memref<100000x16xf32, #tpu.memory_space<hbm>> -> memref<12500x8x16xf32, #tpu.memory_space<hbm>>
        %dma_wait3A_89 = arith.constant 12480 : i32
        %dma_wait3A_90 = arith.constant 0 : i32
        %dma_wait3A_91 = arith.constant 0 : i32
        %dma_wait3A_92 = tpu.memref_slice %dma_wait3A_88[%dma_wait3A_89, %dma_wait3A_90, %dma_wait3A_91] : memref<12500x8x16xf32, #tpu.memory_space<hbm>> -> memref<20x8x16xf32, #tpu.memory_space<hbm>>
        %dma_wait3A_93 = arith.constant 0 : i32
        %dma_wait3A_94 = arith.constant 0 : i32
        %dma_wait3A_95 = arith.constant 0 : i32
        %dma_wait3A_96 = tpu.memref_slice %arg5[%dma_wait3A_93, %dma_wait3A_94, %dma_wait3A_95] : memref<80x8x16xf32, #tpu.memory_space<vmem>> -> memref<20x8x16xf32, #tpu.memory_space<vmem>>
        tpu.wait_dma2 semaphore(%run_scoped3A : memref<!tpu.dma_semaphore, #tpu.memory_space<semaphore_mem>>) src(%dma_wait3A_96 : memref<20x8x16xf32, #tpu.memory_space<vmem>>) dst(%dma_wait3A_92 : memref<20x8x16xf32, #tpu.memory_space<hbm>>)
        tpu.yield
      }) : () -> ()
    } else {
    }
    %add3A_21 = arith.constant 64 : i32
    %add3A_22 = arith.addi %add3A, %add3A_21 : i32
    %lt3A_23 = arith.constant 156 : i32
    %lt3A_24 = arith.cmpi slt, %add3A_22, %lt3A_23 : i32
    %convert_element_type3A_25 = arith.extui %lt3A_24 : i1 to i32
    %cond3A_26 = arith.constant 0 : i32
    %cond3A_27 = arith.cmpi ne, %convert_element_type3A_25, %cond3A_26 : i32
    scf.if %cond3A_27 {
      %mul3A_57 = arith.constant 80 : i32
      %mul3A_58 = arith.muli %add3A_22, %mul3A_57 : i32
      "tpu.region"() ({
        %run_scoped3A = tpu.sem_alloc : memref<!tpu.dma_semaphore, #tpu.memory_space<semaphore_mem>>
        %dma_start3A = arith.constant 0 : i32
        %dma_start3A_67 = tpu.memref_slice %arg2[%mul3A_58, %dma_start3A] : memref<12504x128xf32, #tpu.memory_space<hbm>> -> memref<80x128xf32, #tpu.memory_space<hbm>>
        %dma_start3A_68 = arith.constant 0 : i32
        %dma_start3A_69 = tpu.memref_slice %arg2[%mul3A_58, %dma_start3A_68] : memref<12504x128xf32, #tpu.memory_space<hbm>> -> memref<80x128xf32, #tpu.memory_space<hbm>>
        tpu.enqueue_dma source(%dma_start3A_69 : memref<80x128xf32, #tpu.memory_space<hbm>>) target(%arg4 : memref<80x128xf32, #tpu.memory_space<vmem>>) target_semaphore(%run_scoped3A : memref<!tpu.dma_semaphore, #tpu.memory_space<semaphore_mem>>)
        %dma_wait3A = arith.constant 0 : i32
        %dma_wait3A_70 = tpu.memref_slice %arg2[%mul3A_58, %dma_wait3A] : memref<12504x128xf32, #tpu.memory_space<hbm>> -> memref<80x128xf32, #tpu.memory_space<hbm>>
        %dma_wait3A_71 = arith.constant 0 : i32
        %dma_wait3A_72 = tpu.memref_slice %arg2[%mul3A_58, %dma_wait3A_71] : memref<12504x128xf32, #tpu.memory_space<hbm>> -> memref<80x128xf32, #tpu.memory_space<hbm>>
        tpu.wait_dma2 semaphore(%run_scoped3A : memref<!tpu.dma_semaphore, #tpu.memory_space<semaphore_mem>>) src(%dma_wait3A_72 : memref<80x128xf32, #tpu.memory_space<hbm>>) dst(%arg4 : memref<80x128xf32, #tpu.memory_space<vmem>>)
        tpu.yield
      }) : () -> ()
      %scan3A = arith.constant 0 : i32
      %scan3A_59 = arith.constant 0 : i32
      %scan3A_60 = arith.constant 80 : i32
      %scan3A_61 = arith.addi %scan3A_59, %scan3A_60 : i32
      %scan3A_62 = arith.constant 1 : i32
      %scan3A_63 = scf.for %scan3A_67 = %scan3A_59 to %scan3A_61 step %scan3A_62 iter_args(%scan3A_68 = %scan3A) -> (i32)  : i32 {
        %get3A = arith.index_cast %scan3A_67 : i32 to index
        %get3A_69 = arith.constant 0 : index
        %get3A_70 = tpu.vector_load %arg4[%get3A, %get3A_69] {strides = array<i32>} : memref<80x128xf32, #tpu.memory_space<vmem>>, vector<1x128xf32>,
        %get3A_71 = vector.shape_cast %get3A_70 : vector<1x128xf32> to vector<128xf32>
        %reshape3A = vector.shape_cast %get3A_71 : vector<128xf32> to vector<8x16xf32>
        %swap3A = arith.index_cast %scan3A_67 : i32 to index
        %swap3A_72 = arith.constant 0 : index
        %swap3A_73 = arith.constant 0 : index
        %swap3A_74 = tpu.vector_load %arg5[%swap3A, %swap3A_72, %swap3A_73] {strides = array<i32>} : memref<80x8x16xf32, #tpu.memory_space<vmem>>, vector<1x8x16xf32>,
        %swap3A_75 = vector.shape_cast %swap3A_74 : vector<1x8x16xf32> to vector<8x16xf32>
        %swap3A_76 = vector.shape_cast %reshape3A : vector<8x16xf32> to vector<1x8x16xf32>
        tpu.vector_store %arg5[%swap3A, %swap3A_72, %swap3A_73], %swap3A_76 {strides = array<i32>} : memref<80x8x16xf32, #tpu.memory_space<vmem>>, vector<1x8x16xf32>,
        %scan3A_77 = arith.constant 0 : i32
        scf.yield %scan3A_77 : i32
      }
      %scan3A_64 = arith.constant 80 : i32
      %mul3A_65 = arith.constant 80 : i32
      %mul3A_66 = arith.muli %add3A_22, %mul3A_65 : i32
      "tpu.region"() ({
        %run_scoped3A = tpu.sem_alloc : memref<!tpu.dma_semaphore, #tpu.memory_space<semaphore_mem>>
        %dma_start3A = tpu.memref_reshape %arg3 : memref<100000x16xf32, #tpu.memory_space<hbm>> -> memref<12500x8x16xf32, #tpu.memory_space<hbm>>
        %dma_start3A_67 = arith.constant 0 : i32
        %dma_start3A_68 = arith.constant 0 : i32
        %dma_start3A_69 = tpu.memref_slice %dma_start3A[%mul3A_66, %dma_start3A_67, %dma_start3A_68] : memref<12500x8x16xf32, #tpu.memory_space<hbm>> -> memref<80x8x16xf32, #tpu.memory_space<hbm>>
        %dma_start3A_70 = tpu.memref_reshape %arg3 : memref<100000x16xf32, #tpu.memory_space<hbm>> -> memref<12500x8x16xf32, #tpu.memory_space<hbm>>
        %dma_start3A_71 = arith.constant 0 : i32
        %dma_start3A_72 = arith.constant 0 : i32
        %dma_start3A_73 = tpu.memref_slice %dma_start3A_70[%mul3A_66, %dma_start3A_71, %dma_start3A_72] : memref<12500x8x16xf32, #tpu.memory_space<hbm>> -> memref<80x8x16xf32, #tpu.memory_space<hbm>>
        tpu.enqueue_dma source(%arg5 : memref<80x8x16xf32, #tpu.memory_space<vmem>>) target(%dma_start3A_73 : memref<80x8x16xf32, #tpu.memory_space<hbm>>) target_semaphore(%run_scoped3A : memref<!tpu.dma_semaphore, #tpu.memory_space<semaphore_mem>>)
        %dma_wait3A = tpu.memref_reshape %arg3 : memref<100000x16xf32, #tpu.memory_space<hbm>> -> memref<12500x8x16xf32, #tpu.memory_space<hbm>>
        %dma_wait3A_74 = arith.constant 0 : i32
        %dma_wait3A_75 = arith.constant 0 : i32
        %dma_wait3A_76 = tpu.memref_slice %dma_wait3A[%mul3A_66, %dma_wait3A_74, %dma_wait3A_75] : memref<12500x8x16xf32, #tpu.memory_space<hbm>> -> memref<80x8x16xf32, #tpu.memory_space<hbm>>
        %dma_wait3A_77 = tpu.memref_reshape %arg3 : memref<100000x16xf32, #tpu.memory_space<hbm>> -> memref<12500x8x16xf32, #tpu.memory_space<hbm>>
        %dma_wait3A_78 = arith.constant 0 : i32
        %dma_wait3A_79 = arith.constant 0 : i32
        %dma_wait3A_80 = tpu.memref_slice %dma_wait3A_77[%mul3A_66, %dma_wait3A_78, %dma_wait3A_79] : memref<12500x8x16xf32, #tpu.memory_space<hbm>> -> memref<80x8x16xf32, #tpu.memory_space<hbm>>
        tpu.wait_dma2 semaphore(%run_scoped3A : memref<!tpu.dma_semaphore, #tpu.memory_space<semaphore_mem>>) src(%arg5 : memref<80x8x16xf32, #tpu.memory_space<vmem>>) dst(%dma_wait3A_80 : memref<80x8x16xf32, #tpu.memory_space<hbm>>)
        tpu.yield
      }) : () -> ()
    } else {
    }
    %eq3A_28 = arith.constant 156 : i32
    %eq3A_29 = arith.cmpi eq, %add3A_22, %eq3A_28 : i32
    %convert_element_type3A_30 = arith.extui %eq3A_29 : i1 to i32
    %cond3A_31 = arith.constant 0 : i32
    %cond3A_32 = arith.cmpi ne, %convert_element_type3A_30, %cond3A_31 : i32
    scf.if %cond3A_32 {
      "tpu.region"() ({
        %run_scoped3A = tpu.sem_alloc : memref<!tpu.dma_semaphore, #tpu.memory_space<semaphore_mem>>
        %dma_start3A = arith.constant 0 : i32
        %dma_start3A_63 = arith.constant 0 : i32
        %dma_start3A_64 = tpu.memref_slice %arg4[%dma_start3A, %dma_start3A_63] : memref<80x128xf32, #tpu.memory_space<vmem>> -> memref<24x128xf32, #tpu.memory_space<vmem>>
        %dma_start3A_65 = arith.constant 12480 : i32
        %dma_start3A_66 = arith.constant 0 : i32
        %dma_start3A_67 = tpu.memref_slice %arg2[%dma_start3A_65, %dma_start3A_66] : memref<12504x128xf32, #tpu.memory_space<hbm>> -> memref<24x128xf32, #tpu.memory_space<hbm>>
        %dma_start3A_68 = arith.constant 0 : i32
        %dma_start3A_69 = arith.constant 0 : i32
        %dma_start3A_70 = tpu.memref_slice %arg4[%dma_start3A_68, %dma_start3A_69] : memref<80x128xf32, #tpu.memory_space<vmem>> -> memref<24x128xf32, #tpu.memory_space<vmem>>
        %dma_start3A_71 = arith.constant 12480 : i32
        %dma_start3A_72 = arith.constant 0 : i32
        %dma_start3A_73 = tpu.memref_slice %arg2[%dma_start3A_71, %dma_start3A_72] : memref<12504x128xf32, #tpu.memory_space<hbm>> -> memref<24x128xf32, #tpu.memory_space<hbm>>
        tpu.enqueue_dma source(%dma_start3A_73 : memref<24x128xf32, #tpu.memory_space<hbm>>) target(%dma_start3A_70 : memref<24x128xf32, #tpu.memory_space<vmem>>) target_semaphore(%run_scoped3A : memref<!tpu.dma_semaphore, #tpu.memory_space<semaphore_mem>>)
        %dma_wait3A = arith.constant 0 : i32
        %dma_wait3A_74 = arith.constant 0 : i32
        %dma_wait3A_75 = tpu.memref_slice %arg4[%dma_wait3A, %dma_wait3A_74] : memref<80x128xf32, #tpu.memory_space<vmem>> -> memref<24x128xf32, #tpu.memory_space<vmem>>
        %dma_wait3A_76 = arith.constant 12480 : i32
        %dma_wait3A_77 = arith.constant 0 : i32
        %dma_wait3A_78 = tpu.memref_slice %arg2[%dma_wait3A_76, %dma_wait3A_77] : memref<12504x128xf32, #tpu.memory_space<hbm>> -> memref<24x128xf32, #tpu.memory_space<hbm>>
        %dma_wait3A_79 = arith.constant 0 : i32
        %dma_wait3A_80 = arith.constant 0 : i32
        %dma_wait3A_81 = tpu.memref_slice %arg4[%dma_wait3A_79, %dma_wait3A_80] : memref<80x128xf32, #tpu.memory_space<vmem>> -> memref<24x128xf32, #tpu.memory_space<vmem>>
        %dma_wait3A_82 = arith.constant 12480 : i32
        %dma_wait3A_83 = arith.constant 0 : i32
        %dma_wait3A_84 = tpu.memref_slice %arg2[%dma_wait3A_82, %dma_wait3A_83] : memref<12504x128xf32, #tpu.memory_space<hbm>> -> memref<24x128xf32, #tpu.memory_space<hbm>>
        tpu.wait_dma2 semaphore(%run_scoped3A : memref<!tpu.dma_semaphore, #tpu.memory_space<semaphore_mem>>) src(%dma_wait3A_84 : memref<24x128xf32, #tpu.memory_space<hbm>>) dst(%dma_wait3A_81 : memref<24x128xf32, #tpu.memory_space<vmem>>)
        tpu.yield
      }) : () -> ()
      %scan3A = arith.constant 0 : i32
      %scan3A_57 = arith.constant 0 : i32
      %scan3A_58 = arith.constant 20 : i32
      %scan3A_59 = arith.addi %scan3A_57, %scan3A_58 : i32
      %scan3A_60 = arith.constant 1 : i32
      %scan3A_61 = scf.for %scan3A_63 = %scan3A_57 to %scan3A_59 step %scan3A_60 iter_args(%scan3A_64 = %scan3A) -> (i32)  : i32 {
        %get3A = arith.index_cast %scan3A_63 : i32 to index
        %get3A_65 = arith.constant 0 : index
        %get3A_66 = tpu.vector_load %arg4[%get3A, %get3A_65] {strides = array<i32>} : memref<80x128xf32, #tpu.memory_space<vmem>>, vector<1x128xf32>,
        %get3A_67 = vector.shape_cast %get3A_66 : vector<1x128xf32> to vector<128xf32>
        %reshape3A = vector.shape_cast %get3A_67 : vector<128xf32> to vector<8x16xf32>
        %swap3A = arith.index_cast %scan3A_63 : i32 to index
        %swap3A_68 = arith.constant 0 : index
        %swap3A_69 = arith.constant 0 : index
        %swap3A_70 = tpu.vector_load %arg5[%swap3A, %swap3A_68, %swap3A_69] {strides = array<i32>} : memref<80x8x16xf32, #tpu.memory_space<vmem>>, vector<1x8x16xf32>,
        %swap3A_71 = vector.shape_cast %swap3A_70 : vector<1x8x16xf32> to vector<8x16xf32>
        %swap3A_72 = vector.shape_cast %reshape3A : vector<8x16xf32> to vector<1x8x16xf32>
        tpu.vector_store %arg5[%swap3A, %swap3A_68, %swap3A_69], %swap3A_72 {strides = array<i32>} : memref<80x8x16xf32, #tpu.memory_space<vmem>>, vector<1x8x16xf32>,
        %scan3A_73 = arith.constant 0 : i32
        scf.yield %scan3A_73 : i32
      }
      %scan3A_62 = arith.constant 20 : i32
      "tpu.region"() ({
        %run_scoped3A = tpu.sem_alloc : memref<!tpu.dma_semaphore, #tpu.memory_space<semaphore_mem>>
        %dma_start3A = arith.constant 0 : i32
        %dma_start3A_63 = arith.constant 0 : i32
        %dma_start3A_64 = arith.constant 0 : i32
        %dma_start3A_65 = tpu.memref_slice %arg5[%dma_start3A, %dma_start3A_63, %dma_start3A_64] : memref<80x8x16xf32, #tpu.memory_space<vmem>> -> memref<20x8x16xf32, #tpu.memory_space<vmem>>
        %dma_start3A_66 = tpu.memref_reshape %arg3 : memref<100000x16xf32, #tpu.memory_space<hbm>> -> memref<12500x8x16xf32, #tpu.memory_space<hbm>>
        %dma_start3A_67 = arith.constant 12480 : i32
        %dma_start3A_68 = arith.constant 0 : i32
        %dma_start3A_69 = arith.constant 0 : i32
        %dma_start3A_70 = tpu.memref_slice %dma_start3A_66[%dma_start3A_67, %dma_start3A_68, %dma_start3A_69] : memref<12500x8x16xf32, #tpu.memory_space<hbm>> -> memref<20x8x16xf32, #tpu.memory_space<hbm>>
        %dma_start3A_71 = tpu.memref_reshape %arg3 : memref<100000x16xf32, #tpu.memory_space<hbm>> -> memref<12500x8x16xf32, #tpu.memory_space<hbm>>
        %dma_start3A_72 = arith.constant 12480 : i32
        %dma_start3A_73 = arith.constant 0 : i32
        %dma_start3A_74 = arith.constant 0 : i32
        %dma_start3A_75 = tpu.memref_slice %dma_start3A_71[%dma_start3A_72, %dma_start3A_73, %dma_start3A_74] : memref<12500x8x16xf32, #tpu.memory_space<hbm>> -> memref<20x8x16xf32, #tpu.memory_space<hbm>>
        %dma_start3A_76 = arith.constant 0 : i32
        %dma_start3A_77 = arith.constant 0 : i32
        %dma_start3A_78 = arith.constant 0 : i32
        %dma_start3A_79 = tpu.memref_slice %arg5[%dma_start3A_76, %dma_start3A_77, %dma_start3A_78] : memref<80x8x16xf32, #tpu.memory_space<vmem>> -> memref<20x8x16xf32, #tpu.memory_space<vmem>>
        tpu.enqueue_dma source(%dma_start3A_79 : memref<20x8x16xf32, #tpu.memory_space<vmem>>) target(%dma_start3A_75 : memref<20x8x16xf32, #tpu.memory_space<hbm>>) target_semaphore(%run_scoped3A : memref<!tpu.dma_semaphore, #tpu.memory_space<semaphore_mem>>)
        %dma_wait3A = arith.constant 0 : i32
        %dma_wait3A_80 = arith.constant 0 : i32
        %dma_wait3A_81 = arith.constant 0 : i32
        %dma_wait3A_82 = tpu.memref_slice %arg5[%dma_wait3A, %dma_wait3A_80, %dma_wait3A_81] : memref<80x8x16xf32, #tpu.memory_space<vmem>> -> memref<20x8x16xf32, #tpu.memory_space<vmem>>
        %dma_wait3A_83 = tpu.memref_reshape %arg3 : memref<100000x16xf32, #tpu.memory_space<hbm>> -> memref<12500x8x16xf32, #tpu.memory_space<hbm>>
        %dma_wait3A_84 = arith.constant 12480 : i32
        %dma_wait3A_85 = arith.constant 0 : i32
        %dma_wait3A_86 = arith.constant 0 : i32
        %dma_wait3A_87 = tpu.memref_slice %dma_wait3A_83[%dma_wait3A_84, %dma_wait3A_85, %dma_wait3A_86] : memref<12500x8x16xf32, #tpu.memory_space<hbm>> -> memref<20x8x16xf32, #tpu.memory_space<hbm>>
        %dma_wait3A_88 = tpu.memref_reshape %arg3 : memref<100000x16xf32, #tpu.memory_space<hbm>> -> memref<12500x8x16xf32, #tpu.memory_space<hbm>>
        %dma_wait3A_89 = arith.constant 12480 : i32
        %dma_wait3A_90 = arith.constant 0 : i32
        %dma_wait3A_91 = arith.constant 0 : i32
        %dma_wait3A_92 = tpu.memref_slice %dma_wait3A_88[%dma_wait3A_89, %dma_wait3A_90, %dma_wait3A_91] : memref<12500x8x16xf32, #tpu.memory_space<hbm>> -> memref<20x8x16xf32, #tpu.memory_space<hbm>>
        %dma_wait3A_93 = arith.constant 0 : i32
        %dma_wait3A_94 = arith.constant 0 : i32
        %dma_wait3A_95 = arith.constant 0 : i32
        %dma_wait3A_96 = tpu.memref_slice %arg5[%dma_wait3A_93, %dma_wait3A_94, %dma_wait3A_95] : memref<80x8x16xf32, #tpu.memory_space<vmem>> -> memref<20x8x16xf32, #tpu.memory_space<vmem>>
        tpu.wait_dma2 semaphore(%run_scoped3A : memref<!tpu.dma_semaphore, #tpu.memory_space<semaphore_mem>>) src(%dma_wait3A_96 : memref<20x8x16xf32, #tpu.memory_space<vmem>>) dst(%dma_wait3A_92 : memref<20x8x16xf32, #tpu.memory_space<hbm>>)
        tpu.yield
      }) : () -> ()
    } else {
    }
    %add3A_33 = arith.constant 96 : i32
    %add3A_34 = arith.addi %add3A, %add3A_33 : i32
    %lt3A_35 = arith.constant 156 : i32
    %lt3A_36 = arith.cmpi slt, %add3A_34, %lt3A_35 : i32
    %convert_element_type3A_37 = arith.extui %lt3A_36 : i1 to i32
    %cond3A_38 = arith.constant 0 : i32
    %cond3A_39 = arith.cmpi ne, %convert_element_type3A_37, %cond3A_38 : i32
    scf.if %cond3A_39 {
      %mul3A_57 = arith.constant 80 : i32
      %mul3A_58 = arith.muli %add3A_34, %mul3A_57 : i32
      "tpu.region"() ({
        %run_scoped3A = tpu.sem_alloc : memref<!tpu.dma_semaphore, #tpu.memory_space<semaphore_mem>>
        %dma_start3A = arith.constant 0 : i32
        %dma_start3A_67 = tpu.memref_slice %arg2[%mul3A_58, %dma_start3A] : memref<12504x128xf32, #tpu.memory_space<hbm>> -> memref<80x128xf32, #tpu.memory_space<hbm>>
        %dma_start3A_68 = arith.constant 0 : i32
        %dma_start3A_69 = tpu.memref_slice %arg2[%mul3A_58, %dma_start3A_68] : memref<12504x128xf32, #tpu.memory_space<hbm>> -> memref<80x128xf32, #tpu.memory_space<hbm>>
        tpu.enqueue_dma source(%dma_start3A_69 : memref<80x128xf32, #tpu.memory_space<hbm>>) target(%arg4 : memref<80x128xf32, #tpu.memory_space<vmem>>) target_semaphore(%run_scoped3A : memref<!tpu.dma_semaphore, #tpu.memory_space<semaphore_mem>>)
        %dma_wait3A = arith.constant 0 : i32
        %dma_wait3A_70 = tpu.memref_slice %arg2[%mul3A_58, %dma_wait3A] : memref<12504x128xf32, #tpu.memory_space<hbm>> -> memref<80x128xf32, #tpu.memory_space<hbm>>
        %dma_wait3A_71 = arith.constant 0 : i32
        %dma_wait3A_72 = tpu.memref_slice %arg2[%mul3A_58, %dma_wait3A_71] : memref<12504x128xf32, #tpu.memory_space<hbm>> -> memref<80x128xf32, #tpu.memory_space<hbm>>
        tpu.wait_dma2 semaphore(%run_scoped3A : memref<!tpu.dma_semaphore, #tpu.memory_space<semaphore_mem>>) src(%dma_wait3A_72 : memref<80x128xf32, #tpu.memory_space<hbm>>) dst(%arg4 : memref<80x128xf32, #tpu.memory_space<vmem>>)
        tpu.yield
      }) : () -> ()
      %scan3A = arith.constant 0 : i32
      %scan3A_59 = arith.constant 0 : i32
      %scan3A_60 = arith.constant 80 : i32
      %scan3A_61 = arith.addi %scan3A_59, %scan3A_60 : i32
      %scan3A_62 = arith.constant 1 : i32
      %scan3A_63 = scf.for %scan3A_67 = %scan3A_59 to %scan3A_61 step %scan3A_62 iter_args(%scan3A_68 = %scan3A) -> (i32)  : i32 {
        %get3A = arith.index_cast %scan3A_67 : i32 to index
        %get3A_69 = arith.constant 0 : index
        %get3A_70 = tpu.vector_load %arg4[%get3A, %get3A_69] {strides = array<i32>} : memref<80x128xf32, #tpu.memory_space<vmem>>, vector<1x128xf32>,
        %get3A_71 = vector.shape_cast %get3A_70 : vector<1x128xf32> to vector<128xf32>
        %reshape3A = vector.shape_cast %get3A_71 : vector<128xf32> to vector<8x16xf32>
        %swap3A = arith.index_cast %scan3A_67 : i32 to index
        %swap3A_72 = arith.constant 0 : index
        %swap3A_73 = arith.constant 0 : index
        %swap3A_74 = tpu.vector_load %arg5[%swap3A, %swap3A_72, %swap3A_73] {strides = array<i32>} : memref<80x8x16xf32, #tpu.memory_space<vmem>>, vector<1x8x16xf32>,
        %swap3A_75 = vector.shape_cast %swap3A_74 : vector<1x8x16xf32> to vector<8x16xf32>
        %swap3A_76 = vector.shape_cast %reshape3A : vector<8x16xf32> to vector<1x8x16xf32>
        tpu.vector_store %arg5[%swap3A, %swap3A_72, %swap3A_73], %swap3A_76 {strides = array<i32>} : memref<80x8x16xf32, #tpu.memory_space<vmem>>, vector<1x8x16xf32>,
        %scan3A_77 = arith.constant 0 : i32
        scf.yield %scan3A_77 : i32
      }
      %scan3A_64 = arith.constant 80 : i32
      %mul3A_65 = arith.constant 80 : i32
      %mul3A_66 = arith.muli %add3A_34, %mul3A_65 : i32
      "tpu.region"() ({
        %run_scoped3A = tpu.sem_alloc : memref<!tpu.dma_semaphore, #tpu.memory_space<semaphore_mem>>
        %dma_start3A = tpu.memref_reshape %arg3 : memref<100000x16xf32, #tpu.memory_space<hbm>> -> memref<12500x8x16xf32, #tpu.memory_space<hbm>>
        %dma_start3A_67 = arith.constant 0 : i32
        %dma_start3A_68 = arith.constant 0 : i32
        %dma_start3A_69 = tpu.memref_slice %dma_start3A[%mul3A_66, %dma_start3A_67, %dma_start3A_68] : memref<12500x8x16xf32, #tpu.memory_space<hbm>> -> memref<80x8x16xf32, #tpu.memory_space<hbm>>
        %dma_start3A_70 = tpu.memref_reshape %arg3 : memref<100000x16xf32, #tpu.memory_space<hbm>> -> memref<12500x8x16xf32, #tpu.memory_space<hbm>>
        %dma_start3A_71 = arith.constant 0 : i32
        %dma_start3A_72 = arith.constant 0 : i32
        %dma_start3A_73 = tpu.memref_slice %dma_start3A_70[%mul3A_66, %dma_start3A_71, %dma_start3A_72] : memref<12500x8x16xf32, #tpu.memory_space<hbm>> -> memref<80x8x16xf32, #tpu.memory_space<hbm>>
        tpu.enqueue_dma source(%arg5 : memref<80x8x16xf32, #tpu.memory_space<vmem>>) target(%dma_start3A_73 : memref<80x8x16xf32, #tpu.memory_space<hbm>>) target_semaphore(%run_scoped3A : memref<!tpu.dma_semaphore, #tpu.memory_space<semaphore_mem>>)
        %dma_wait3A = tpu.memref_reshape %arg3 : memref<100000x16xf32, #tpu.memory_space<hbm>> -> memref<12500x8x16xf32, #tpu.memory_space<hbm>>
        %dma_wait3A_74 = arith.constant 0 : i32
        %dma_wait3A_75 = arith.constant 0 : i32
        %dma_wait3A_76 = tpu.memref_slice %dma_wait3A[%mul3A_66, %dma_wait3A_74, %dma_wait3A_75] : memref<12500x8x16xf32, #tpu.memory_space<hbm>> -> memref<80x8x16xf32, #tpu.memory_space<hbm>>
        %dma_wait3A_77 = tpu.memref_reshape %arg3 : memref<100000x16xf32, #tpu.memory_space<hbm>> -> memref<12500x8x16xf32, #tpu.memory_space<hbm>>
        %dma_wait3A_78 = arith.constant 0 : i32
        %dma_wait3A_79 = arith.constant 0 : i32
        %dma_wait3A_80 = tpu.memref_slice %dma_wait3A_77[%mul3A_66, %dma_wait3A_78, %dma_wait3A_79] : memref<12500x8x16xf32, #tpu.memory_space<hbm>> -> memref<80x8x16xf32, #tpu.memory_space<hbm>>
        tpu.wait_dma2 semaphore(%run_scoped3A : memref<!tpu.dma_semaphore, #tpu.memory_space<semaphore_mem>>) src(%arg5 : memref<80x8x16xf32, #tpu.memory_space<vmem>>) dst(%dma_wait3A_80 : memref<80x8x16xf32, #tpu.memory_space<hbm>>)
        tpu.yield
      }) : () -> ()
    } else {
    }
    %eq3A_40 = arith.constant 156 : i32
    %eq3A_41 = arith.cmpi eq, %add3A_34, %eq3A_40 : i32
    %convert_element_type3A_42 = arith.extui %eq3A_41 : i1 to i32
    %cond3A_43 = arith.constant 0 : i32
    %cond3A_44 = arith.cmpi ne, %convert_element_type3A_42, %cond3A_43 : i32
    scf.if %cond3A_44 {
      "tpu.region"() ({
        %run_scoped3A = tpu.sem_alloc : memref<!tpu.dma_semaphore, #tpu.memory_space<semaphore_mem>>
        %dma_start3A = arith.constant 0 : i32
        %dma_start3A_63 = arith.constant 0 : i32
        %dma_start3A_64 = tpu.memref_slice %arg4[%dma_start3A, %dma_start3A_63] : memref<80x128xf32, #tpu.memory_space<vmem>> -> memref<24x128xf32, #tpu.memory_space<vmem>>
        %dma_start3A_65 = arith.constant 12480 : i32
        %dma_start3A_66 = arith.constant 0 : i32
        %dma_start3A_67 = tpu.memref_slice %arg2[%dma_start3A_65, %dma_start3A_66] : memref<12504x128xf32, #tpu.memory_space<hbm>> -> memref<24x128xf32, #tpu.memory_space<hbm>>
        %dma_start3A_68 = arith.constant 0 : i32
        %dma_start3A_69 = arith.constant 0 : i32
        %dma_start3A_70 = tpu.memref_slice %arg4[%dma_start3A_68, %dma_start3A_69] : memref<80x128xf32, #tpu.memory_space<vmem>> -> memref<24x128xf32, #tpu.memory_space<vmem>>
        %dma_start3A_71 = arith.constant 12480 : i32
        %dma_start3A_72 = arith.constant 0 : i32
        %dma_start3A_73 = tpu.memref_slice %arg2[%dma_start3A_71, %dma_start3A_72] : memref<12504x128xf32, #tpu.memory_space<hbm>> -> memref<24x128xf32, #tpu.memory_space<hbm>>
        tpu.enqueue_dma source(%dma_start3A_73 : memref<24x128xf32, #tpu.memory_space<hbm>>) target(%dma_start3A_70 : memref<24x128xf32, #tpu.memory_space<vmem>>) target_semaphore(%run_scoped3A : memref<!tpu.dma_semaphore, #tpu.memory_space<semaphore_mem>>)
        %dma_wait3A = arith.constant 0 : i32
        %dma_wait3A_74 = arith.constant 0 : i32
        %dma_wait3A_75 = tpu.memref_slice %arg4[%dma_wait3A, %dma_wait3A_74] : memref<80x128xf32, #tpu.memory_space<vmem>> -> memref<24x128xf32, #tpu.memory_space<vmem>>
        %dma_wait3A_76 = arith.constant 12480 : i32
        %dma_wait3A_77 = arith.constant 0 : i32
        %dma_wait3A_78 = tpu.memref_slice %arg2[%dma_wait3A_76, %dma_wait3A_77] : memref<12504x128xf32, #tpu.memory_space<hbm>> -> memref<24x128xf32, #tpu.memory_space<hbm>>
        %dma_wait3A_79 = arith.constant 0 : i32
        %dma_wait3A_80 = arith.constant 0 : i32
        %dma_wait3A_81 = tpu.memref_slice %arg4[%dma_wait3A_79, %dma_wait3A_80] : memref<80x128xf32, #tpu.memory_space<vmem>> -> memref<24x128xf32, #tpu.memory_space<vmem>>
        %dma_wait3A_82 = arith.constant 12480 : i32
        %dma_wait3A_83 = arith.constant 0 : i32
        %dma_wait3A_84 = tpu.memref_slice %arg2[%dma_wait3A_82, %dma_wait3A_83] : memref<12504x128xf32, #tpu.memory_space<hbm>> -> memref<24x128xf32, #tpu.memory_space<hbm>>
        tpu.wait_dma2 semaphore(%run_scoped3A : memref<!tpu.dma_semaphore, #tpu.memory_space<semaphore_mem>>) src(%dma_wait3A_84 : memref<24x128xf32, #tpu.memory_space<hbm>>) dst(%dma_wait3A_81 : memref<24x128xf32, #tpu.memory_space<vmem>>)
        tpu.yield
      }) : () -> ()
      %scan3A = arith.constant 0 : i32
      %scan3A_57 = arith.constant 0 : i32
      %scan3A_58 = arith.constant 20 : i32
      %scan3A_59 = arith.addi %scan3A_57, %scan3A_58 : i32
      %scan3A_60 = arith.constant 1 : i32
      %scan3A_61 = scf.for %scan3A_63 = %scan3A_57 to %scan3A_59 step %scan3A_60 iter_args(%scan3A_64 = %scan3A) -> (i32)  : i32 {
        %get3A = arith.index_cast %scan3A_63 : i32 to index
        %get3A_65 = arith.constant 0 : index
        %get3A_66 = tpu.vector_load %arg4[%get3A, %get3A_65] {strides = array<i32>} : memref<80x128xf32, #tpu.memory_space<vmem>>, vector<1x128xf32>,
        %get3A_67 = vector.shape_cast %get3A_66 : vector<1x128xf32> to vector<128xf32>
        %reshape3A = vector.shape_cast %get3A_67 : vector<128xf32> to vector<8x16xf32>
        %swap3A = arith.index_cast %scan3A_63 : i32 to index
        %swap3A_68 = arith.constant 0 : index
        %swap3A_69 = arith.constant 0 : index
        %swap3A_70 = tpu.vector_load %arg5[%swap3A, %swap3A_68, %swap3A_69] {strides = array<i32>} : memref<80x8x16xf32, #tpu.memory_space<vmem>>, vector<1x8x16xf32>,
        %swap3A_71 = vector.shape_cast %swap3A_70 : vector<1x8x16xf32> to vector<8x16xf32>
        %swap3A_72 = vector.shape_cast %reshape3A : vector<8x16xf32> to vector<1x8x16xf32>
        tpu.vector_store %arg5[%swap3A, %swap3A_68, %swap3A_69], %swap3A_72 {strides = array<i32>} : memref<80x8x16xf32, #tpu.memory_space<vmem>>, vector<1x8x16xf32>,
        %scan3A_73 = arith.constant 0 : i32
        scf.yield %scan3A_73 : i32
      }
      %scan3A_62 = arith.constant 20 : i32
      "tpu.region"() ({
        %run_scoped3A = tpu.sem_alloc : memref<!tpu.dma_semaphore, #tpu.memory_space<semaphore_mem>>
        %dma_start3A = arith.constant 0 : i32
        %dma_start3A_63 = arith.constant 0 : i32
        %dma_start3A_64 = arith.constant 0 : i32
        %dma_start3A_65 = tpu.memref_slice %arg5[%dma_start3A, %dma_start3A_63, %dma_start3A_64] : memref<80x8x16xf32, #tpu.memory_space<vmem>> -> memref<20x8x16xf32, #tpu.memory_space<vmem>>
        %dma_start3A_66 = tpu.memref_reshape %arg3 : memref<100000x16xf32, #tpu.memory_space<hbm>> -> memref<12500x8x16xf32, #tpu.memory_space<hbm>>
        %dma_start3A_67 = arith.constant 12480 : i32
        %dma_start3A_68 = arith.constant 0 : i32
        %dma_start3A_69 = arith.constant 0 : i32
        %dma_start3A_70 = tpu.memref_slice %dma_start3A_66[%dma_start3A_67, %dma_start3A_68, %dma_start3A_69] : memref<12500x8x16xf32, #tpu.memory_space<hbm>> -> memref<20x8x16xf32, #tpu.memory_space<hbm>>
        %dma_start3A_71 = tpu.memref_reshape %arg3 : memref<100000x16xf32, #tpu.memory_space<hbm>> -> memref<12500x8x16xf32, #tpu.memory_space<hbm>>
        %dma_start3A_72 = arith.constant 12480 : i32
        %dma_start3A_73 = arith.constant 0 : i32
        %dma_start3A_74 = arith.constant 0 : i32
        %dma_start3A_75 = tpu.memref_slice %dma_start3A_71[%dma_start3A_72, %dma_start3A_73, %dma_start3A_74] : memref<12500x8x16xf32, #tpu.memory_space<hbm>> -> memref<20x8x16xf32, #tpu.memory_space<hbm>>
        %dma_start3A_76 = arith.constant 0 : i32
        %dma_start3A_77 = arith.constant 0 : i32
        %dma_start3A_78 = arith.constant 0 : i32
        %dma_start3A_79 = tpu.memref_slice %arg5[%dma_start3A_76, %dma_start3A_77, %dma_start3A_78] : memref<80x8x16xf32, #tpu.memory_space<vmem>> -> memref<20x8x16xf32, #tpu.memory_space<vmem>>
        tpu.enqueue_dma source(%dma_start3A_79 : memref<20x8x16xf32, #tpu.memory_space<vmem>>) target(%dma_start3A_75 : memref<20x8x16xf32, #tpu.memory_space<hbm>>) target_semaphore(%run_scoped3A : memref<!tpu.dma_semaphore, #tpu.memory_space<semaphore_mem>>)
        %dma_wait3A = arith.constant 0 : i32
        %dma_wait3A_80 = arith.constant 0 : i32
        %dma_wait3A_81 = arith.constant 0 : i32
        %dma_wait3A_82 = tpu.memref_slice %arg5[%dma_wait3A, %dma_wait3A_80, %dma_wait3A_81] : memref<80x8x16xf32, #tpu.memory_space<vmem>> -> memref<20x8x16xf32, #tpu.memory_space<vmem>>
        %dma_wait3A_83 = tpu.memref_reshape %arg3 : memref<100000x16xf32, #tpu.memory_space<hbm>> -> memref<12500x8x16xf32, #tpu.memory_space<hbm>>
        %dma_wait3A_84 = arith.constant 12480 : i32
        %dma_wait3A_85 = arith.constant 0 : i32
        %dma_wait3A_86 = arith.constant 0 : i32
        %dma_wait3A_87 = tpu.memref_slice %dma_wait3A_83[%dma_wait3A_84, %dma_wait3A_85, %dma_wait3A_86] : memref<12500x8x16xf32, #tpu.memory_space<hbm>> -> memref<20x8x16xf32, #tpu.memory_space<hbm>>
        %dma_wait3A_88 = tpu.memref_reshape %arg3 : memref<100000x16xf32, #tpu.memory_space<hbm>> -> memref<12500x8x16xf32, #tpu.memory_space<hbm>>
        %dma_wait3A_89 = arith.constant 12480 : i32
        %dma_wait3A_90 = arith.constant 0 : i32
        %dma_wait3A_91 = arith.constant 0 : i32
        %dma_wait3A_92 = tpu.memref_slice %dma_wait3A_88[%dma_wait3A_89, %dma_wait3A_90, %dma_wait3A_91] : memref<12500x8x16xf32, #tpu.memory_space<hbm>> -> memref<20x8x16xf32, #tpu.memory_space<hbm>>
        %dma_wait3A_93 = arith.constant 0 : i32
        %dma_wait3A_94 = arith.constant 0 : i32
        %dma_wait3A_95 = arith.constant 0 : i32
        %dma_wait3A_96 = tpu.memref_slice %arg5[%dma_wait3A_93, %dma_wait3A_94, %dma_wait3A_95] : memref<80x8x16xf32, #tpu.memory_space<vmem>> -> memref<20x8x16xf32, #tpu.memory_space<vmem>>
        tpu.wait_dma2 semaphore(%run_scoped3A : memref<!tpu.dma_semaphore, #tpu.memory_space<semaphore_mem>>) src(%dma_wait3A_96 : memref<20x8x16xf32, #tpu.memory_space<vmem>>) dst(%dma_wait3A_92 : memref<20x8x16xf32, #tpu.memory_space<hbm>>)
        tpu.yield
      }) : () -> ()
    } else {
    }
    %add3A_45 = arith.constant 128 : i32
    %add3A_46 = arith.addi %add3A, %add3A_45 : i32
    %lt3A_47 = arith.constant 156 : i32
    %lt3A_48 = arith.cmpi slt, %add3A_46, %lt3A_47 : i32
    %convert_element_type3A_49 = arith.extui %lt3A_48 : i1 to i32
    %cond3A_50 = arith.constant 0 : i32
    %cond3A_51 = arith.cmpi ne, %convert_element_type3A_49, %cond3A_50 : i32
    scf.if %cond3A_51 {
      %mul3A_57 = arith.constant 80 : i32
      %mul3A_58 = arith.muli %add3A_46, %mul3A_57 : i32
      "tpu.region"() ({
        %run_scoped3A = tpu.sem_alloc : memref<!tpu.dma_semaphore, #tpu.memory_space<semaphore_mem>>
        %dma_start3A = arith.constant 0 : i32
        %dma_start3A_67 = tpu.memref_slice %arg2[%mul3A_58, %dma_start3A] : memref<12504x128xf32, #tpu.memory_space<hbm>> -> memref<80x128xf32, #tpu.memory_space<hbm>>
        %dma_start3A_68 = arith.constant 0 : i32
        %dma_start3A_69 = tpu.memref_slice %arg2[%mul3A_58, %dma_start3A_68] : memref<12504x128xf32, #tpu.memory_space<hbm>> -> memref<80x128xf32, #tpu.memory_space<hbm>>
        tpu.enqueue_dma source(%dma_start3A_69 : memref<80x128xf32, #tpu.memory_space<hbm>>) target(%arg4 : memref<80x128xf32, #tpu.memory_space<vmem>>) target_semaphore(%run_scoped3A : memref<!tpu.dma_semaphore, #tpu.memory_space<semaphore_mem>>)
        %dma_wait3A = arith.constant 0 : i32
        %dma_wait3A_70 = tpu.memref_slice %arg2[%mul3A_58, %dma_wait3A] : memref<12504x128xf32, #tpu.memory_space<hbm>> -> memref<80x128xf32, #tpu.memory_space<hbm>>
        %dma_wait3A_71 = arith.constant 0 : i32
        %dma_wait3A_72 = tpu.memref_slice %arg2[%mul3A_58, %dma_wait3A_71] : memref<12504x128xf32, #tpu.memory_space<hbm>> -> memref<80x128xf32, #tpu.memory_space<hbm>>
        tpu.wait_dma2 semaphore(%run_scoped3A : memref<!tpu.dma_semaphore, #tpu.memory_space<semaphore_mem>>) src(%dma_wait3A_72 : memref<80x128xf32, #tpu.memory_space<hbm>>) dst(%arg4 : memref<80x128xf32, #tpu.memory_space<vmem>>)
        tpu.yield
      }) : () -> ()
      %scan3A = arith.constant 0 : i32
      %scan3A_59 = arith.constant 0 : i32
      %scan3A_60 = arith.constant 80 : i32
      %scan3A_61 = arith.addi %scan3A_59, %scan3A_60 : i32
      %scan3A_62 = arith.constant 1 : i32
      %scan3A_63 = scf.for %scan3A_67 = %scan3A_59 to %scan3A_61 step %scan3A_62 iter_args(%scan3A_68 = %scan3A) -> (i32)  : i32 {
        %get3A = arith.index_cast %scan3A_67 : i32 to index
        %get3A_69 = arith.constant 0 : index
        %get3A_70 = tpu.vector_load %arg4[%get3A, %get3A_69] {strides = array<i32>} : memref<80x128xf32, #tpu.memory_space<vmem>>, vector<1x128xf32>,
        %get3A_71 = vector.shape_cast %get3A_70 : vector<1x128xf32> to vector<128xf32>
        %reshape3A = vector.shape_cast %get3A_71 : vector<128xf32> to vector<8x16xf32>
        %swap3A = arith.index_cast %scan3A_67 : i32 to index
        %swap3A_72 = arith.constant 0 : index
        %swap3A_73 = arith.constant 0 : index
        %swap3A_74 = tpu.vector_load %arg5[%swap3A, %swap3A_72, %swap3A_73] {strides = array<i32>} : memref<80x8x16xf32, #tpu.memory_space<vmem>>, vector<1x8x16xf32>,
        %swap3A_75 = vector.shape_cast %swap3A_74 : vector<1x8x16xf32> to vector<8x16xf32>
        %swap3A_76 = vector.shape_cast %reshape3A : vector<8x16xf32> to vector<1x8x16xf32>
        tpu.vector_store %arg5[%swap3A, %swap3A_72, %swap3A_73], %swap3A_76 {strides = array<i32>} : memref<80x8x16xf32, #tpu.memory_space<vmem>>, vector<1x8x16xf32>,
        %scan3A_77 = arith.constant 0 : i32
        scf.yield %scan3A_77 : i32
      }
      %scan3A_64 = arith.constant 80 : i32
      %mul3A_65 = arith.constant 80 : i32
      %mul3A_66 = arith.muli %add3A_46, %mul3A_65 : i32
      "tpu.region"() ({
        %run_scoped3A = tpu.sem_alloc : memref<!tpu.dma_semaphore, #tpu.memory_space<semaphore_mem>>
        %dma_start3A = tpu.memref_reshape %arg3 : memref<100000x16xf32, #tpu.memory_space<hbm>> -> memref<12500x8x16xf32, #tpu.memory_space<hbm>>
        %dma_start3A_67 = arith.constant 0 : i32
        %dma_start3A_68 = arith.constant 0 : i32
        %dma_start3A_69 = tpu.memref_slice %dma_start3A[%mul3A_66, %dma_start3A_67, %dma_start3A_68] : memref<12500x8x16xf32, #tpu.memory_space<hbm>> -> memref<80x8x16xf32, #tpu.memory_space<hbm>>
        %dma_start3A_70 = tpu.memref_reshape %arg3 : memref<100000x16xf32, #tpu.memory_space<hbm>> -> memref<12500x8x16xf32, #tpu.memory_space<hbm>>
        %dma_start3A_71 = arith.constant 0 : i32
        %dma_start3A_72 = arith.constant 0 : i32
        %dma_start3A_73 = tpu.memref_slice %dma_start3A_70[%mul3A_66, %dma_start3A_71, %dma_start3A_72] : memref<12500x8x16xf32, #tpu.memory_space<hbm>> -> memref<80x8x16xf32, #tpu.memory_space<hbm>>
        tpu.enqueue_dma source(%arg5 : memref<80x8x16xf32, #tpu.memory_space<vmem>>) target(%dma_start3A_73 : memref<80x8x16xf32, #tpu.memory_space<hbm>>) target_semaphore(%run_scoped3A : memref<!tpu.dma_semaphore, #tpu.memory_space<semaphore_mem>>)
        %dma_wait3A = tpu.memref_reshape %arg3 : memref<100000x16xf32, #tpu.memory_space<hbm>> -> memref<12500x8x16xf32, #tpu.memory_space<hbm>>
        %dma_wait3A_74 = arith.constant 0 : i32
        %dma_wait3A_75 = arith.constant 0 : i32
        %dma_wait3A_76 = tpu.memref_slice %dma_wait3A[%mul3A_66, %dma_wait3A_74, %dma_wait3A_75] : memref<12500x8x16xf32, #tpu.memory_space<hbm>> -> memref<80x8x16xf32, #tpu.memory_space<hbm>>
        %dma_wait3A_77 = tpu.memref_reshape %arg3 : memref<100000x16xf32, #tpu.memory_space<hbm>> -> memref<12500x8x16xf32, #tpu.memory_space<hbm>>
        %dma_wait3A_78 = arith.constant 0 : i32
        %dma_wait3A_79 = arith.constant 0 : i32
        %dma_wait3A_80 = tpu.memref_slice %dma_wait3A_77[%mul3A_66, %dma_wait3A_78, %dma_wait3A_79] : memref<12500x8x16xf32, #tpu.memory_space<hbm>> -> memref<80x8x16xf32, #tpu.memory_space<hbm>>
        tpu.wait_dma2 semaphore(%run_scoped3A : memref<!tpu.dma_semaphore, #tpu.memory_space<semaphore_mem>>) src(%arg5 : memref<80x8x16xf32, #tpu.memory_space<vmem>>) dst(%dma_wait3A_80 : memref<80x8x16xf32, #tpu.memory_space<hbm>>)
        tpu.yield
      }) : () -> ()
    } else {
    }
    %eq3A_52 = arith.constant 156 : i32
    %eq3A_53 = arith.cmpi eq, %add3A_46, %eq3A_52 : i32
    %convert_element_type3A_54 = arith.extui %eq3A_53 : i1 to i32
    %cond3A_55 = arith.constant 0 : i32
    %cond3A_56 = arith.cmpi ne, %convert_element_type3A_54, %cond3A_55 : i32
    scf.if %cond3A_56 {
      "tpu.region"() ({
        %run_scoped3A = tpu.sem_alloc : memref<!tpu.dma_semaphore, #tpu.memory_space<semaphore_mem>>
        %dma_start3A = arith.constant 0 : i32
        %dma_start3A_63 = arith.constant 0 : i32
        %dma_start3A_64 = tpu.memref_slice %arg4[%dma_start3A, %dma_start3A_63] : memref<80x128xf32, #tpu.memory_space<vmem>> -> memref<24x128xf32, #tpu.memory_space<vmem>>
        %dma_start3A_65 = arith.constant 12480 : i32
        %dma_start3A_66 = arith.constant 0 : i32
        %dma_start3A_67 = tpu.memref_slice %arg2[%dma_start3A_65, %dma_start3A_66] : memref<12504x128xf32, #tpu.memory_space<hbm>> -> memref<24x128xf32, #tpu.memory_space<hbm>>
        %dma_start3A_68 = arith.constant 0 : i32
        %dma_start3A_69 = arith.constant 0 : i32
        %dma_start3A_70 = tpu.memref_slice %arg4[%dma_start3A_68, %dma_start3A_69] : memref<80x128xf32, #tpu.memory_space<vmem>> -> memref<24x128xf32, #tpu.memory_space<vmem>>
        %dma_start3A_71 = arith.constant 12480 : i32
        %dma_start3A_72 = arith.constant 0 : i32
        %dma_start3A_73 = tpu.memref_slice %arg2[%dma_start3A_71, %dma_start3A_72] : memref<12504x128xf32, #tpu.memory_space<hbm>> -> memref<24x128xf32, #tpu.memory_space<hbm>>
        tpu.enqueue_dma source(%dma_start3A_73 : memref<24x128xf32, #tpu.memory_space<hbm>>) target(%dma_start3A_70 : memref<24x128xf32, #tpu.memory_space<vmem>>) target_semaphore(%run_scoped3A : memref<!tpu.dma_semaphore, #tpu.memory_space<semaphore_mem>>)
        %dma_wait3A = arith.constant 0 : i32
        %dma_wait3A_74 = arith.constant 0 : i32
        %dma_wait3A_75 = tpu.memref_slice %arg4[%dma_wait3A, %dma_wait3A_74] : memref<80x128xf32, #tpu.memory_space<vmem>> -> memref<24x128xf32, #tpu.memory_space<vmem>>
        %dma_wait3A_76 = arith.constant 12480 : i32
        %dma_wait3A_77 = arith.constant 0 : i32
        %dma_wait3A_78 = tpu.memref_slice %arg2[%dma_wait3A_76, %dma_wait3A_77] : memref<12504x128xf32, #tpu.memory_space<hbm>> -> memref<24x128xf32, #tpu.memory_space<hbm>>
        %dma_wait3A_79 = arith.constant 0 : i32
        %dma_wait3A_80 = arith.constant 0 : i32
        %dma_wait3A_81 = tpu.memref_slice %arg4[%dma_wait3A_79, %dma_wait3A_80] : memref<80x128xf32, #tpu.memory_space<vmem>> -> memref<24x128xf32, #tpu.memory_space<vmem>>
        %dma_wait3A_82 = arith.constant 12480 : i32
        %dma_wait3A_83 = arith.constant 0 : i32
        %dma_wait3A_84 = tpu.memref_slice %arg2[%dma_wait3A_82, %dma_wait3A_83] : memref<12504x128xf32, #tpu.memory_space<hbm>> -> memref<24x128xf32, #tpu.memory_space<hbm>>
        tpu.wait_dma2 semaphore(%run_scoped3A : memref<!tpu.dma_semaphore, #tpu.memory_space<semaphore_mem>>) src(%dma_wait3A_84 : memref<24x128xf32, #tpu.memory_space<hbm>>) dst(%dma_wait3A_81 : memref<24x128xf32, #tpu.memory_space<vmem>>)
        tpu.yield
      }) : () -> ()
      %scan3A = arith.constant 0 : i32
      %scan3A_57 = arith.constant 0 : i32
      %scan3A_58 = arith.constant 20 : i32
      %scan3A_59 = arith.addi %scan3A_57, %scan3A_58 : i32
      %scan3A_60 = arith.constant 1 : i32
      %scan3A_61 = scf.for %scan3A_63 = %scan3A_57 to %scan3A_59 step %scan3A_60 iter_args(%scan3A_64 = %scan3A) -> (i32)  : i32 {
        %get3A = arith.index_cast %scan3A_63 : i32 to index
        %get3A_65 = arith.constant 0 : index
        %get3A_66 = tpu.vector_load %arg4[%get3A, %get3A_65] {strides = array<i32>} : memref<80x128xf32, #tpu.memory_space<vmem>>, vector<1x128xf32>,
        %get3A_67 = vector.shape_cast %get3A_66 : vector<1x128xf32> to vector<128xf32>
        %reshape3A = vector.shape_cast %get3A_67 : vector<128xf32> to vector<8x16xf32>
        %swap3A = arith.index_cast %scan3A_63 : i32 to index
        %swap3A_68 = arith.constant 0 : index
        %swap3A_69 = arith.constant 0 : index
        %swap3A_70 = tpu.vector_load %arg5[%swap3A, %swap3A_68, %swap3A_69] {strides = array<i32>} : memref<80x8x16xf32, #tpu.memory_space<vmem>>, vector<1x8x16xf32>,
        %swap3A_71 = vector.shape_cast %swap3A_70 : vector<1x8x16xf32> to vector<8x16xf32>
        %swap3A_72 = vector.shape_cast %reshape3A : vector<8x16xf32> to vector<1x8x16xf32>
        tpu.vector_store %arg5[%swap3A, %swap3A_68, %swap3A_69], %swap3A_72 {strides = array<i32>} : memref<80x8x16xf32, #tpu.memory_space<vmem>>, vector<1x8x16xf32>,
        %scan3A_73 = arith.constant 0 : i32
        scf.yield %scan3A_73 : i32
      }
      %scan3A_62 = arith.constant 20 : i32
      "tpu.region"() ({
        %run_scoped3A = tpu.sem_alloc : memref<!tpu.dma_semaphore, #tpu.memory_space<semaphore_mem>>
        %dma_start3A = arith.constant 0 : i32
        %dma_start3A_63 = arith.constant 0 : i32
        %dma_start3A_64 = arith.constant 0 : i32
        %dma_start3A_65 = tpu.memref_slice %arg5[%dma_start3A, %dma_start3A_63, %dma_start3A_64] : memref<80x8x16xf32, #tpu.memory_space<vmem>> -> memref<20x8x16xf32, #tpu.memory_space<vmem>>
        %dma_start3A_66 = tpu.memref_reshape %arg3 : memref<100000x16xf32, #tpu.memory_space<hbm>> -> memref<12500x8x16xf32, #tpu.memory_space<hbm>>
        %dma_start3A_67 = arith.constant 12480 : i32
        %dma_start3A_68 = arith.constant 0 : i32
        %dma_start3A_69 = arith.constant 0 : i32
        %dma_start3A_70 = tpu.memref_slice %dma_start3A_66[%dma_start3A_67, %dma_start3A_68, %dma_start3A_69] : memref<12500x8x16xf32, #tpu.memory_space<hbm>> -> memref<20x8x16xf32, #tpu.memory_space<hbm>>
        %dma_start3A_71 = tpu.memref_reshape %arg3 : memref<100000x16xf32, #tpu.memory_space<hbm>> -> memref<12500x8x16xf32, #tpu.memory_space<hbm>>
        %dma_start3A_72 = arith.constant 12480 : i32
        %dma_start3A_73 = arith.constant 0 : i32
        %dma_start3A_74 = arith.constant 0 : i32
        %dma_start3A_75 = tpu.memref_slice %dma_start3A_71[%dma_start3A_72, %dma_start3A_73, %dma_start3A_74] : memref<12500x8x16xf32, #tpu.memory_space<hbm>> -> memref<20x8x16xf32, #tpu.memory_space<hbm>>
        %dma_start3A_76 = arith.constant 0 : i32
        %dma_start3A_77 = arith.constant 0 : i32
        %dma_start3A_78 = arith.constant 0 : i32
        %dma_start3A_79 = tpu.memref_slice %arg5[%dma_start3A_76, %dma_start3A_77, %dma_start3A_78] : memref<80x8x16xf32, #tpu.memory_space<vmem>> -> memref<20x8x16xf32, #tpu.memory_space<vmem>>
        tpu.enqueue_dma source(%dma_start3A_79 : memref<20x8x16xf32, #tpu.memory_space<vmem>>) target(%dma_start3A_75 : memref<20x8x16xf32, #tpu.memory_space<hbm>>) target_semaphore(%run_scoped3A : memref<!tpu.dma_semaphore, #tpu.memory_space<semaphore_mem>>)
        %dma_wait3A = arith.constant 0 : i32
        %dma_wait3A_80 = arith.constant 0 : i32
        %dma_wait3A_81 = arith.constant 0 : i32
        %dma_wait3A_82 = tpu.memref_slice %arg5[%dma_wait3A, %dma_wait3A_80, %dma_wait3A_81] : memref<80x8x16xf32, #tpu.memory_space<vmem>> -> memref<20x8x16xf32, #tpu.memory_space<vmem>>
        %dma_wait3A_83 = tpu.memref_reshape %arg3 : memref<100000x16xf32, #tpu.memory_space<hbm>> -> memref<12500x8x16xf32, #tpu.memory_space<hbm>>
        %dma_wait3A_84 = arith.constant 12480 : i32
        %dma_wait3A_85 = arith.constant 0 : i32
        %dma_wait3A_86 = arith.constant 0 : i32
        %dma_wait3A_87 = tpu.memref_slice %dma_wait3A_83[%dma_wait3A_84, %dma_wait3A_85, %dma_wait3A_86] : memref<12500x8x16xf32, #tpu.memory_space<hbm>> -> memref<20x8x16xf32, #tpu.memory_space<hbm>>
        %dma_wait3A_88 = tpu.memref_reshape %arg3 : memref<100000x16xf32, #tpu.memory_space<hbm>> -> memref<12500x8x16xf32, #tpu.memory_space<hbm>>
        %dma_wait3A_89 = arith.constant 12480 : i32
        %dma_wait3A_90 = arith.constant 0 : i32
        %dma_wait3A_91 = arith.constant 0 : i32
        %dma_wait3A_92 = tpu.memref_slice %dma_wait3A_88[%dma_wait3A_89, %dma_wait3A_90, %dma_wait3A_91] : memref<12500x8x16xf32, #tpu.memory_space<hbm>> -> memref<20x8x16xf32, #tpu.memory_space<hbm>>
        %dma_wait3A_93 = arith.constant 0 : i32
        %dma_wait3A_94 = arith.constant 0 : i32
        %dma_wait3A_95 = arith.constant 0 : i32
        %dma_wait3A_96 = tpu.memref_slice %arg5[%dma_wait3A_93, %dma_wait3A_94, %dma_wait3A_95] : memref<80x8x16xf32, #tpu.memory_space<vmem>> -> memref<20x8x16xf32, #tpu.memory_space<vmem>>
        tpu.wait_dma2 semaphore(%run_scoped3A : memref<!tpu.dma_semaphore, #tpu.memory_space<semaphore_mem>>) src(%dma_wait3A_96 : memref<20x8x16xf32, #tpu.memory_space<vmem>>) dst(%dma_wait3A_92 : memref<20x8x16xf32, #tpu.memory_space<hbm>>)
        tpu.yield
      }) : () -> ()
    } else {
    }
    return
  }
}

module attributes {stable_mosaic.version = 14 : i64} {
  func.func @_tc_body(%arg0: i32, %arg1: memref<12800x128xf32, #tpu.memory_space<vmem>>, %arg2: memref<16x128xf32, #tpu.memory_space<vmem>>, %arg3: memref<1600x128xf32, #tpu.memory_space<vmem>>) attributes {dimension_semantics = [#tpu.dimension_semantics<arbitrary>], iteration_bounds = array<i64: 8>, scalar_prefetch = 0 : i64, scratch_operands = 0 : i64, tpu.core_type = #tpu.core_type<tc>, window_params = [{transform_indices = @transform_0, window_bounds = array<i64: 12800, 128>}, {pipeline_mode = #tpu.pipeline_mode<synchronous>, transform_indices = @transform_1, window_bounds = array<i64: 16, 128>}, {transform_indices = @transform_2, window_bounds = array<i64: 1600, 128>}]} {
    %get3A = arith.constant 0 : index
    %get3A_0 = arith.constant 0 : index
    %get3A_1 = vector.load %arg2[%get3A, %get3A_0] : memref<16x128xf32, #tpu.memory_space<vmem>>, vector<16x128xf32>
    %mul3A = arith.constant -2.000000e+00 : f32
    %mul3A_2 = vector.broadcast %mul3A : f32 to vector<16x128xf32>
    %mul3A_3 = arith.mulf %mul3A_2, %get3A_1 : vector<16x128xf32>
    %broadcast_in_dim3A = arith.constant 1.000000e+00 : f32
    %broadcast_in_dim3A_4 = vector.broadcast %broadcast_in_dim3A : f32 to vector<16x128xf32>
    %get3A_5 = arith.constant 0 : index
    %get3A_6 = arith.constant 0 : index
    %get3A_7 = tpu.strided_load %arg1[%get3A_5, %get3A_6] {strides = array<i32: 8, 1>} : memref<12800x128xf32, #tpu.memory_space<vmem>>, vector<1600x128xf32>
    %dot_general3A = arith.constant dense<0.000000e+00> : vector<16x1600xf32>
    %dot_general3A_8 = tpu.matmul %mul3A_3, %get3A_7, %dot_general3A {dimension_numbers = #tpu.dot_dimension_numbers<[1], [1], [0], [0], [0, 0, 1, 0], [], []>, transpose_lhs_hint = false} : vector<16x128xf32>, vector<1600x128xf32>, vector<16x1600xf32> -> vector<16x1600xf32>
    %mul3A_9 = arith.mulf %get3A_7, %get3A_7 : vector<1600x128xf32>
    %dot_general3A_10 = arith.constant dense<0.000000e+00> : vector<16x1600xf32>
    %dot_general3A_11 = tpu.matmul %broadcast_in_dim3A_4, %mul3A_9, %dot_general3A_10 {dimension_numbers = #tpu.dot_dimension_numbers<[1], [1], [0], [0], [0, 0, 1, 0], [], []>, transpose_lhs_hint = false} : vector<16x128xf32>, vector<1600x128xf32>, vector<16x1600xf32> -> vector<16x1600xf32>
    %add3A = arith.addf %dot_general3A_8, %dot_general3A_11 : vector<16x1600xf32>
    %get3A_12 = arith.constant 1 : index
    %get3A_13 = arith.constant 0 : index
    %get3A_14 = tpu.strided_load %arg1[%get3A_12, %get3A_13] {strides = array<i32: 8, 1>} : memref<12800x128xf32, #tpu.memory_space<vmem>>, vector<1600x128xf32>
    %dot_general3A_15 = arith.constant dense<0.000000e+00> : vector<16x1600xf32>
    %dot_general3A_16 = tpu.matmul %mul3A_3, %get3A_14, %dot_general3A_15 {dimension_numbers = #tpu.dot_dimension_numbers<[1], [1], [0], [0], [0, 0, 1, 0], [], []>, transpose_lhs_hint = false} : vector<16x128xf32>, vector<1600x128xf32>, vector<16x1600xf32> -> vector<16x1600xf32>
    %mul3A_17 = arith.mulf %get3A_14, %get3A_14 : vector<1600x128xf32>
    %dot_general3A_18 = arith.constant dense<0.000000e+00> : vector<16x1600xf32>
    %dot_general3A_19 = tpu.matmul %broadcast_in_dim3A_4, %mul3A_17, %dot_general3A_18 {dimension_numbers = #tpu.dot_dimension_numbers<[1], [1], [0], [0], [0, 0, 1, 0], [], []>, transpose_lhs_hint = false} : vector<16x128xf32>, vector<1600x128xf32>, vector<16x1600xf32> -> vector<16x1600xf32>
    %add3A_20 = arith.addf %dot_general3A_16, %dot_general3A_19 : vector<16x1600xf32>
    %get3A_21 = arith.constant 2 : index
    %get3A_22 = arith.constant 0 : index
    %get3A_23 = tpu.strided_load %arg1[%get3A_21, %get3A_22] {strides = array<i32: 8, 1>} : memref<12800x128xf32, #tpu.memory_space<vmem>>, vector<1600x128xf32>
    %dot_general3A_24 = arith.constant dense<0.000000e+00> : vector<16x1600xf32>
    %dot_general3A_25 = tpu.matmul %mul3A_3, %get3A_23, %dot_general3A_24 {dimension_numbers = #tpu.dot_dimension_numbers<[1], [1], [0], [0], [0, 0, 1, 0], [], []>, transpose_lhs_hint = false} : vector<16x128xf32>, vector<1600x128xf32>, vector<16x1600xf32> -> vector<16x1600xf32>
    %mul3A_26 = arith.mulf %get3A_23, %get3A_23 : vector<1600x128xf32>
    %dot_general3A_27 = arith.constant dense<0.000000e+00> : vector<16x1600xf32>
    %dot_general3A_28 = tpu.matmul %broadcast_in_dim3A_4, %mul3A_26, %dot_general3A_27 {dimension_numbers = #tpu.dot_dimension_numbers<[1], [1], [0], [0], [0, 0, 1, 0], [], []>, transpose_lhs_hint = false} : vector<16x128xf32>, vector<1600x128xf32>, vector<16x1600xf32> -> vector<16x1600xf32>
    %add3A_29 = arith.addf %dot_general3A_25, %dot_general3A_28 : vector<16x1600xf32>
    %get3A_30 = arith.constant 3 : index
    %get3A_31 = arith.constant 0 : index
    %get3A_32 = tpu.strided_load %arg1[%get3A_30, %get3A_31] {strides = array<i32: 8, 1>} : memref<12800x128xf32, #tpu.memory_space<vmem>>, vector<1600x128xf32>
    %dot_general3A_33 = arith.constant dense<0.000000e+00> : vector<16x1600xf32>
    %dot_general3A_34 = tpu.matmul %mul3A_3, %get3A_32, %dot_general3A_33 {dimension_numbers = #tpu.dot_dimension_numbers<[1], [1], [0], [0], [0, 0, 1, 0], [], []>, transpose_lhs_hint = false} : vector<16x128xf32>, vector<1600x128xf32>, vector<16x1600xf32> -> vector<16x1600xf32>
    %mul3A_35 = arith.mulf %get3A_32, %get3A_32 : vector<1600x128xf32>
    %dot_general3A_36 = arith.constant dense<0.000000e+00> : vector<16x1600xf32>
    %dot_general3A_37 = tpu.matmul %broadcast_in_dim3A_4, %mul3A_35, %dot_general3A_36 {dimension_numbers = #tpu.dot_dimension_numbers<[1], [1], [0], [0], [0, 0, 1, 0], [], []>, transpose_lhs_hint = false} : vector<16x128xf32>, vector<1600x128xf32>, vector<16x1600xf32> -> vector<16x1600xf32>
    %add3A_38 = arith.addf %dot_general3A_34, %dot_general3A_37 : vector<16x1600xf32>
    %get3A_39 = arith.constant 4 : index
    %get3A_40 = arith.constant 0 : index
    %get3A_41 = tpu.strided_load %arg1[%get3A_39, %get3A_40] {strides = array<i32: 8, 1>} : memref<12800x128xf32, #tpu.memory_space<vmem>>, vector<1600x128xf32>
    %dot_general3A_42 = arith.constant dense<0.000000e+00> : vector<16x1600xf32>
    %dot_general3A_43 = tpu.matmul %mul3A_3, %get3A_41, %dot_general3A_42 {dimension_numbers = #tpu.dot_dimension_numbers<[1], [1], [0], [0], [0, 0, 1, 0], [], []>, transpose_lhs_hint = false} : vector<16x128xf32>, vector<1600x128xf32>, vector<16x1600xf32> -> vector<16x1600xf32>
    %mul3A_44 = arith.mulf %get3A_41, %get3A_41 : vector<1600x128xf32>
    %dot_general3A_45 = arith.constant dense<0.000000e+00> : vector<16x1600xf32>
    %dot_general3A_46 = tpu.matmul %broadcast_in_dim3A_4, %mul3A_44, %dot_general3A_45 {dimension_numbers = #tpu.dot_dimension_numbers<[1], [1], [0], [0], [0, 0, 1, 0], [], []>, transpose_lhs_hint = false} : vector<16x128xf32>, vector<1600x128xf32>, vector<16x1600xf32> -> vector<16x1600xf32>
    %add3A_47 = arith.addf %dot_general3A_43, %dot_general3A_46 : vector<16x1600xf32>
    %get3A_48 = arith.constant 5 : index
    %get3A_49 = arith.constant 0 : index
    %get3A_50 = tpu.strided_load %arg1[%get3A_48, %get3A_49] {strides = array<i32: 8, 1>} : memref<12800x128xf32, #tpu.memory_space<vmem>>, vector<1600x128xf32>
    %dot_general3A_51 = arith.constant dense<0.000000e+00> : vector<16x1600xf32>
    %dot_general3A_52 = tpu.matmul %mul3A_3, %get3A_50, %dot_general3A_51 {dimension_numbers = #tpu.dot_dimension_numbers<[1], [1], [0], [0], [0, 0, 1, 0], [], []>, transpose_lhs_hint = false} : vector<16x128xf32>, vector<1600x128xf32>, vector<16x1600xf32> -> vector<16x1600xf32>
    %mul3A_53 = arith.mulf %get3A_50, %get3A_50 : vector<1600x128xf32>
    %dot_general3A_54 = arith.constant dense<0.000000e+00> : vector<16x1600xf32>
    %dot_general3A_55 = tpu.matmul %broadcast_in_dim3A_4, %mul3A_53, %dot_general3A_54 {dimension_numbers = #tpu.dot_dimension_numbers<[1], [1], [0], [0], [0, 0, 1, 0], [], []>, transpose_lhs_hint = false} : vector<16x128xf32>, vector<1600x128xf32>, vector<16x1600xf32> -> vector<16x1600xf32>
    %add3A_56 = arith.addf %dot_general3A_52, %dot_general3A_55 : vector<16x1600xf32>
    %get3A_57 = arith.constant 6 : index
    %get3A_58 = arith.constant 0 : index
    %get3A_59 = tpu.strided_load %arg1[%get3A_57, %get3A_58] {strides = array<i32: 8, 1>} : memref<12800x128xf32, #tpu.memory_space<vmem>>, vector<1600x128xf32>
    %dot_general3A_60 = arith.constant dense<0.000000e+00> : vector<16x1600xf32>
    %dot_general3A_61 = tpu.matmul %mul3A_3, %get3A_59, %dot_general3A_60 {dimension_numbers = #tpu.dot_dimension_numbers<[1], [1], [0], [0], [0, 0, 1, 0], [], []>, transpose_lhs_hint = false} : vector<16x128xf32>, vector<1600x128xf32>, vector<16x1600xf32> -> vector<16x1600xf32>
    %mul3A_62 = arith.mulf %get3A_59, %get3A_59 : vector<1600x128xf32>
    %dot_general3A_63 = arith.constant dense<0.000000e+00> : vector<16x1600xf32>
    %dot_general3A_64 = tpu.matmul %broadcast_in_dim3A_4, %mul3A_62, %dot_general3A_63 {dimension_numbers = #tpu.dot_dimension_numbers<[1], [1], [0], [0], [0, 0, 1, 0], [], []>, transpose_lhs_hint = false} : vector<16x128xf32>, vector<1600x128xf32>, vector<16x1600xf32> -> vector<16x1600xf32>
    %add3A_65 = arith.addf %dot_general3A_61, %dot_general3A_64 : vector<16x1600xf32>
    %get3A_66 = arith.constant 7 : index
    %get3A_67 = arith.constant 0 : index
    %get3A_68 = tpu.strided_load %arg1[%get3A_66, %get3A_67] {strides = array<i32: 8, 1>} : memref<12800x128xf32, #tpu.memory_space<vmem>>, vector<1600x128xf32>
    %dot_general3A_69 = arith.constant dense<0.000000e+00> : vector<16x1600xf32>
    %dot_general3A_70 = tpu.matmul %mul3A_3, %get3A_68, %dot_general3A_69 {dimension_numbers = #tpu.dot_dimension_numbers<[1], [1], [0], [0], [0, 0, 1, 0], [], []>, transpose_lhs_hint = false} : vector<16x128xf32>, vector<1600x128xf32>, vector<16x1600xf32> -> vector<16x1600xf32>
    %mul3A_71 = arith.mulf %get3A_68, %get3A_68 : vector<1600x128xf32>
    %dot_general3A_72 = arith.constant dense<0.000000e+00> : vector<16x1600xf32>
    %dot_general3A_73 = tpu.matmul %broadcast_in_dim3A_4, %mul3A_71, %dot_general3A_72 {dimension_numbers = #tpu.dot_dimension_numbers<[1], [1], [0], [0], [0, 0, 1, 0], [], []>, transpose_lhs_hint = false} : vector<16x128xf32>, vector<1600x128xf32>, vector<16x1600xf32> -> vector<16x1600xf32>
    %add3A_74 = arith.addf %dot_general3A_70, %dot_general3A_73 : vector<16x1600xf32>
    %concatenate3A = tpu.concatenate %add3A, %add3A_20, %add3A_29, %add3A_38, %add3A_47, %add3A_56, %add3A_65, %add3A_74 in 0 : vector<16x1600xf32>, vector<16x1600xf32>, vector<16x1600xf32>, vector<16x1600xf32>, vector<16x1600xf32>, vector<16x1600xf32>, vector<16x1600xf32>, vector<16x1600xf32> -> vector<128x1600xf32>
    %mul3A_75 = arith.mulf %get3A_1, %get3A_1 : vector<16x128xf32>
    %reduce_sum3A = arith.constant dense<0.000000e+00> : vector<16xf32>
    %reduce_sum3A_76 = vector.multi_reduction <add>, %mul3A_75, %reduce_sum3A [1] : vector<16x128xf32> to vector<16xf32>
    %broadcast_in_dim3A_77 = vector.shape_cast %reduce_sum3A_76 : vector<16xf32> to vector<16x1xf32>
    %add3A_78 = arith.constant 1.000000e+00 : f32
    %add3A_79 = vector.broadcast %add3A_78 : f32 to vector<16x1xf32>
    %add3A_80 = arith.addf %add3A_79, %broadcast_in_dim3A_77 : vector<16x1xf32>
    %tile3A = tpu.concatenate %add3A_80, %add3A_80, %add3A_80, %add3A_80, %add3A_80, %add3A_80, %add3A_80, %add3A_80 in 0 : vector<16x1xf32>, vector<16x1xf32>, vector<16x1xf32>, vector<16x1xf32>, vector<16x1xf32>, vector<16x1xf32>, vector<16x1xf32>, vector<16x1xf32> -> vector<128x1xf32>
    %add3A_81 = vector.broadcast %tile3A : vector<128x1xf32> to vector<128x1600xf32>
    %add3A_82 = arith.addf %concatenate3A, %add3A_81 : vector<128x1600xf32>
    %max3A = arith.constant 1.000000e+00 : f32
    %max3A_83 = vector.broadcast %max3A : f32 to vector<128x1600xf32>
    %max3A_84 = arith.maximumf %add3A_82, %max3A_83 : vector<128x1600xf32>
    %div3A = arith.constant 1.000000e+00 : f32
    %div3A_85 = vector.broadcast %div3A : f32 to vector<128x1600xf32>
    %div3A_86 = arith.divf %div3A_85, %max3A_84 : vector<128x1600xf32>
    %iota3A = tpu.iota {dimensions = array<i32: 0>} : vector<128x128xi32>
    %iota3A_87 = tpu.iota {dimensions = array<i32: 1>} : vector<128x128xi32>
    %jit3A = arith.constant 16 : i32
    %div3A_88 = vector.broadcast %jit3A : i32 to vector<128x128xi32>
    %div3A_89 = arith.divsi %iota3A, %div3A_88 : vector<128x128xi32>
    %sign3A = arith.constant 0 : i32
    %sign3A_90 = vector.broadcast %sign3A : i32 to vector<128x128xi32>
    %sign3A_91 = arith.cmpi sgt, %iota3A, %sign3A_90 : vector<128x128xi32>
    %sign3A_92 = arith.extui %sign3A_91 : vector<128x128xi1> to vector<128x128xi32>
    %sign3A_93 = arith.constant 0 : i32
    %sign3A_94 = vector.broadcast %sign3A_93 : i32 to vector<128x128xi32>
    %sign3A_95 = arith.cmpi slt, %iota3A, %sign3A_94 : vector<128x128xi32>
    %sign3A_96 = arith.extui %sign3A_95 : vector<128x128xi1> to vector<128x128xi32>
    %sign3A_97 = arith.subi %sign3A_92, %sign3A_96 : vector<128x128xi32>
    %sign3A_98 = arith.constant 0 : i32
    %sign3A_99 = arith.cmpi sgt, %jit3A, %sign3A_98 : i32
    %sign3A_100 = arith.extui %sign3A_99 : i1 to i32
    %sign3A_101 = arith.constant 0 : i32
    %sign3A_102 = arith.cmpi slt, %jit3A, %sign3A_101 : i32
    %sign3A_103 = arith.extui %sign3A_102 : i1 to i32
    %sign3A_104 = arith.subi %sign3A_100, %sign3A_103 : i32
    %ne3A = vector.broadcast %sign3A_104 : i32 to vector<128x128xi32>
    %ne3A_105 = arith.cmpi ne, %sign3A_97, %ne3A : vector<128x128xi32>
    %rem3A = vector.broadcast %jit3A : i32 to vector<128x128xi32>
    %rem3A_106 = arith.remsi %iota3A, %rem3A : vector<128x128xi32>
    %ne3A_107 = arith.constant 0 : i32
    %ne3A_108 = vector.broadcast %ne3A_107 : i32 to vector<128x128xi32>
    %ne3A_109 = arith.cmpi ne, %rem3A_106, %ne3A_108 : vector<128x128xi32>
    %and3A = arith.andi %ne3A_105, %ne3A_109 : vector<128x128xi1>
    %sub3A = arith.constant 1 : i32
    %sub3A_110 = vector.broadcast %sub3A : i32 to vector<128x128xi32>
    %sub3A_111 = arith.subi %div3A_89, %sub3A_110 : vector<128x128xi32>
    %select_n3A = arith.select %and3A, %sub3A_111, %div3A_89 : vector<128x128xi1>, vector<128x128xi32>
    %jit3A_112 = arith.constant 16 : i32
    %div3A_113 = vector.broadcast %jit3A_112 : i32 to vector<128x128xi32>
    %div3A_114 = arith.divsi %iota3A_87, %div3A_113 : vector<128x128xi32>
    %sign3A_115 = arith.constant 0 : i32
    %sign3A_116 = vector.broadcast %sign3A_115 : i32 to vector<128x128xi32>
    %sign3A_117 = arith.cmpi sgt, %iota3A_87, %sign3A_116 : vector<128x128xi32>
    %sign3A_118 = arith.extui %sign3A_117 : vector<128x128xi1> to vector<128x128xi32>
    %sign3A_119 = arith.constant 0 : i32
    %sign3A_120 = vector.broadcast %sign3A_119 : i32 to vector<128x128xi32>
    %sign3A_121 = arith.cmpi slt, %iota3A_87, %sign3A_120 : vector<128x128xi32>
    %sign3A_122 = arith.extui %sign3A_121 : vector<128x128xi1> to vector<128x128xi32>
    %sign3A_123 = arith.subi %sign3A_118, %sign3A_122 : vector<128x128xi32>
    %sign3A_124 = arith.constant 0 : i32
    %sign3A_125 = arith.cmpi sgt, %jit3A_112, %sign3A_124 : i32
    %sign3A_126 = arith.extui %sign3A_125 : i1 to i32
    %sign3A_127 = arith.constant 0 : i32
    %sign3A_128 = arith.cmpi slt, %jit3A_112, %sign3A_127 : i32
    %sign3A_129 = arith.extui %sign3A_128 : i1 to i32
    %sign3A_130 = arith.subi %sign3A_126, %sign3A_129 : i32
    %ne3A_131 = vector.broadcast %sign3A_130 : i32 to vector<128x128xi32>
    %ne3A_132 = arith.cmpi ne, %sign3A_123, %ne3A_131 : vector<128x128xi32>
    %rem3A_133 = vector.broadcast %jit3A_112 : i32 to vector<128x128xi32>
    %rem3A_134 = arith.remsi %iota3A_87, %rem3A_133 : vector<128x128xi32>
    %ne3A_135 = arith.constant 0 : i32
    %ne3A_136 = vector.broadcast %ne3A_135 : i32 to vector<128x128xi32>
    %ne3A_137 = arith.cmpi ne, %rem3A_134, %ne3A_136 : vector<128x128xi32>
    %and3A_138 = arith.andi %ne3A_132, %ne3A_137 : vector<128x128xi1>
    %sub3A_139 = arith.constant 1 : i32
    %sub3A_140 = vector.broadcast %sub3A_139 : i32 to vector<128x128xi32>
    %sub3A_141 = arith.subi %div3A_114, %sub3A_140 : vector<128x128xi32>
    %select_n3A_142 = arith.select %and3A_138, %sub3A_141, %div3A_114 : vector<128x128xi1>, vector<128x128xi32>
    %eq3A = arith.cmpi eq, %select_n3A, %select_n3A_142 : vector<128x128xi32>
    %convert_element_type3A = arith.extui %eq3A : vector<128x128xi1> to vector<128x128xi32>
    %convert_element_type3A_143 = arith.sitofp %convert_element_type3A : vector<128x128xi32> to vector<128x128xf32>
    %dot_general3A_144 = arith.constant dense<0.000000e+00> : vector<128x1600xf32>
    %dot_general3A_145 = tpu.matmul %convert_element_type3A_143, %div3A_86, %dot_general3A_144 {dimension_numbers = #tpu.dot_dimension_numbers<[1], [0], [0], [1], [0, 0, 1, 1], [], []>, transpose_lhs_hint = false} : vector<128x128xf32>, vector<128x1600xf32>, vector<128x1600xf32> -> vector<128x1600xf32>
    %div3A_146 = arith.divf %div3A_86, %dot_general3A_145 : vector<128x1600xf32>
    %eq3A_147 = arith.cmpi eq, %iota3A, %iota3A_87 : vector<128x128xi32>
    %convert_element_type3A_148 = arith.extui %eq3A_147 : vector<128x128xi1> to vector<128x128xi32>
    %convert_element_type3A_149 = arith.sitofp %convert_element_type3A_148 : vector<128x128xi32> to vector<128x128xf32>
    %dot_general3A_150 = arith.constant dense<0.000000e+00> : vector<1600x128xf32>
    %dot_general3A_151 = tpu.matmul %div3A_146, %convert_element_type3A_149, %dot_general3A_150 {dimension_numbers = #tpu.dot_dimension_numbers<[0], [0], [1], [1], [0, 1, 1, 1], [], []>, transpose_lhs_hint = false} : vector<128x1600xf32>, vector<128x128xf32>, vector<1600x128xf32> -> vector<1600x128xf32>
    %swap3A = arith.constant 0 : index
    %swap3A_152 = arith.constant 0 : index
    %swap3A_153 = vector.load %arg3[%swap3A, %swap3A_152] : memref<1600x128xf32, #tpu.memory_space<vmem>>, vector<1600x128xf32>
    tpu.vector_store %arg3[%swap3A, %swap3A_152], %dot_general3A_151 {strides = array<i32>} : memref<1600x128xf32, #tpu.memory_space<vmem>>, vector<1600x128xf32>,
    return
  }
  func.func @transform_0(%arg0: i32) -> (i32, i32) {
    %c0_i32 = arith.constant 0 : i32
    %c0_i32_0 = arith.constant 0 : i32
    return %arg0, %c0_i32 : i32, i32
  }
  func.func @transform_1(%arg0: i32) -> (i32, i32) {
    %c0_i32 = arith.constant 0 : i32
    %c0_i32_0 = arith.constant 0 : i32
    %c0_i32_1 = arith.constant 0 : i32
    return %c0_i32, %c0_i32_0 : i32, i32
  }
  func.func @transform_2(%arg0: i32) -> (i32, i32) {
    %c0_i32 = arith.constant 0 : i32
    %c0_i32_0 = arith.constant 0 : i32
    return %arg0, %c0_i32 : i32, i32
  }
}

</mosaic_0001>

<sc_bundles>
// kernel: kernel.4.cloned.1.call-start
scs
__scs_entry_jumppad:
0x0: {  	(pc) =	sbr.rel $0x88, $3  }
0x1: {  	(tag) =	ssettag $0x0;
	lr =	simm.s32 $0x1  }
0x2: {  	[smem:$0x3F9F] =	sst lr;
	_ =	strace $0xD0000000  }
0x3: {  	_ = 	snop  }
0x4: {  	_ = 	snop  }
0x5: {  	_ = 	snop  }
0x6: {  	_ = 	snop  }
0x7: {  	_ = 	snop  }
__scs_overlays_trampoline_lowered:
0x8: {  	[smem:$0x3FAE] =	sst s0  }
0x9: {  	[smem:$0x3FAF] =	sst s1  }
0xa: {  	[smem:$0x3FB0] =	sst s2  }
0xb: {  	[smem:$0x3FB1] =	sst s3  }
0xc: {  	[smem:$0x3FB2] =	sst s4  }
0xd: {  	[smem:$0x3FB3] =	sst s5  }
0xe: {  	[smem:$0x3FB4] =	sst s6  }
0xf: {  	[smem:$0x3FB5] =	sst s7  }
0x10: {  	[smem:$0x3FB6] =	sst s8  }
0x11: {  	[smem:$0x3FB7] =	sst s9;
	s0 =	simm.s32 @!p0 $0x0  }
0x12: {  	s1 =	sld [smem:$0x3F9D];
	s0 =	simm.s32 @p0 $0x1  }
0x13: {  	[smem:$0x3FB8] =	sst s0;
	s0 =	simm.s32 @!p1 $0x0  }
0x14: {  	s2 =	sld [smem:$0x3F9C];
	s0 =	simm.s32 @p1 $0x1  }
0x15: {  	[smem:$0x3FB9] =	sst s0;
	s0 =	simm.s32 @!p2 $0x0  }
0x16: {  	s3 =	sld [smem:$0x3FDB];
	s0 =	simm.s32 @p2 $0x1  }
0x17: {  	s4 =	simm.s32 $0x1BF5;
	[smem:$0x3FBB] =	sst s0  }
0x18: {  	s0 =	sld [smem:$0x3F9E];
	_ =	swait.ge [sflag:s4], $0x0  }
0x19: {  	s7 =	sld [smem:$0x3F9F]  }
0x1a: {  	s8 =	sadd.s32 $0xFFFFE003, lr  }
0x1b: {  	s9 =	sadd.s32 $0xFFFFFEF7, lr;
	s5 =	simm.s32 $0xFFFFFFFF;
	p2 =	slt.u32 s8, $0xFFFFF086  }
0x1c: {  	p1 =	slt.u32 s9, $0xF7A;
	s5 =	simm.s32 @!p2 $0x0  }
0x1d: {  	s5 =	simm.s32 @p1 $0x1;
	p0 =	seq.s32 s7, s2  }
0x1e: {  	s7 =	smul.u32 @!p0 $0xF7A, s2;
	p2 =	seq.s32 @!p0 s5, $0x0  }
0x1f: {  	s9 =	smul.u32 $0xF7A, s1;
	s8 =	simm.s32 @!p0 $0x1BF5;
	p2 =	por !p2, p0  }
0x20: {  	[sflag:s8] =	ssyncset.s32 @!p0 $0xFFFFF086;
	s6 =	sadd.s32 @!p0 s3, s7;
	s7 =	simm.s32 @!p0 $0x108  }
0x21: {  	s3 =	sadd.s32 s3, s9;
	s6 =	sadd.s32 @!p0 $0x88, s6;
	s7 =	simm.s32 @p2 $0x1082  }
0x22: {  	[simem:s7], [sflag:s8] =	dma.local @!p0 [hbm:s6], $0xF7A  }
0x23: {  	s9 =	sor.u32 $0xD0000000, s2;
	s6 =	simm.s32 $0x108;
	_ =	swait.ge @!p0 [sflag:s8], $0x0  }
0x24: {  	s3 =	sadd.s32 $0x88, s3;
	s6 =	simm.s32 @!p1 $0x1082;
	[sflag:s4] =	ssyncset.s32 $0xFFFFF086  }
0x25: {  	[simem:s6], [sflag:s4] =	dma.local [hbm:s3], $0xF7A  }
0x26: {  	[smem:$0x3F9F] =	sst s1;
	(tag) =	ssettag s2;
	_ =	strace s9  }
0x27: {  	s1 =	sld [smem:$0x3FAF]  }
0x28: {  	s2 =	sld [smem:$0x3FB0]  }
0x29: {  	s4 =	sld [smem:$0x3FB2]  }
0x2a: {  	p0 =	seq.s32 s5, $0x0;
	s5 =	sld [smem:$0x3FB3]  }
0x2b: {  	s6 =	sld [smem:$0x3FB4]  }
0x2c: {  	s7 =	sld [smem:$0x3FB5]  }
0x2d: {  	s3 =	simm.s32 $0x108;
	s8 =	sld [smem:$0x3FB6]  }
0x2e: {  	s3 =	simm.s32 @!p0 $0x1082;
	s9 =	sld [smem:$0x3FB7]  }
0x2f: {  	lr =	sadd.s32 s0, s3;
	s0 =	sld [smem:$0x3FAE]  }
0x30: {  	s3 =	sld [smem:$0x3FB1]  }
0x31: {  	[smem:$0x3FBA] =	sst s10  }
0x32: {  	s10 =	sld [smem:$0x3FB8];
	_ =	sdelay $0x3  }
0x33: {  	p0 =	seq.s32 s10, $0x1;
	s10 =	sld [smem:$0x3FBA];
	_ =	sdelay $0x3  }
0x34: {  	[smem:$0x3FBA] =	sst s10  }
0x35: {  	s10 =	sld [smem:$0x3FB9];
	_ =	sdelay $0x3  }
0x36: {  	p1 =	seq.s32 s10, $0x1;
	s10 =	sld [smem:$0x3FBA];
	_ =	sdelay $0x3  }
0x37: {  	[smem:$0x3FBA] =	sst s10  }
0x38: {  	s10 =	sld [smem:$0x3FBB]  }
0x39: {  	_ = 	snop;
	(pc) =	sbr.ind lr, $3  }
0x3a: {  	_ = 	snop  }
0x3b: {  	_ = 	snop  }
0x3c: {  	p2 =	seq.s32 s10, $0x1;
	s10 =	sld [smem:$0x3FBA]  }
0x3d: {  	_ =	shalt  }
0x3e: {  	_ =	shalt  }
0x3f: {  	_ =	shalt  }
0x40: {  	_ =	shalt  }
0x41: {  	_ =	shalt  }
0x42: {  	_ =	shalt  }
0x43: {  	_ =	shalt  }
0x44: {  	_ =	shalt  }
0x45: {  	_ =	shalt  }
0x46: {  	_ =	shalt  }
0x47: {  	_ =	shalt  }
0x48: {  	_ =	shalt  }
0x49: {  	_ =	shalt  }
0x4a: {  	_ =	shalt  }
0x4b: {  	_ =	shalt  }
0x4c: {  	_ =	shalt  }
0x4d: {  	_ =	shalt  }
0x4e: {  	_ =	shalt  }
0x4f: {  	_ =	shalt  }
0x50: {  	_ =	shalt  }
0x51: {  	_ =	shalt  }
0x52: {  	_ =	shalt  }
0x53: {  	_ =	shalt  }
0x54: {  	_ =	shalt  }
0x55: {  	_ =	shalt  }
0x56: {  	_ =	shalt  }
0x57: {  	_ =	shalt  }
0x58: {  	_ =	shalt  }
0x59: {  	_ =	shalt  }
0x5a: {  	_ =	shalt  }
0x5b: {  	_ =	shalt  }
0x5c: {  	_ =	shalt  }
0x5d: {  	_ =	shalt  }
0x5e: {  	_ =	shalt  }
0x5f: {  	_ =	shalt  }
0x60: {  	_ =	shalt  }
0x61: {  	_ =	shalt  }
0x62: {  	_ =	shalt  }
0x63: {  	_ =	shalt  }
0x64: {  	_ =	shalt  }
0x65: {  	_ =	shalt  }
0x66: {  	_ =	shalt  }
0x67: {  	_ =	shalt  }
0x68: {  	_ =	shalt  }
0x69: {  	_ =	shalt  }
0x6a: {  	_ =	shalt  }
0x6b: {  	_ =	shalt  }
0x6c: {  	_ =	shalt  }
0x6d: {  	_ =	shalt  }
0x6e: {  	_ =	shalt  }
0x6f: {  	_ =	shalt  }
0x70: {  	_ =	shalt  }
0x71: {  	_ =	shalt  }
0x72: {  	_ =	shalt  }
0x73: {  	_ =	shalt  }
0x74: {  	_ =	shalt  }
0x75: {  	_ =	shalt  }
0x76: {  	_ =	shalt  }
0x77: {  	_ =	shalt  }
0x78: {  	_ =	shalt  }
0x79: {  	_ =	shalt  }
0x7a: {  	_ =	shalt  }
0x7b: {  	_ =	shalt  }
0x7c: {  	_ =	shalt  }
0x7d: {  	_ =	shalt  }
0x7e: {  	_ =	shalt  }
0x7f: {  	_ =	shalt  }
0x80: {  	_ =	shalt  }
0x81: {  	_ =	shalt  }
0x82: {  	_ =	shalt  }
0x83: {  	_ =	shalt  }
0x84: {  	_ =	shalt  }
0x85: {  	_ =	shalt  }
0x86: {  	_ =	shalt  }
0x87: {  	_ =	shalt  }
.Lfunc_end0:
.L_simem_size_0:
called_computation_lowered:
.L_overlay_start_0:
0x88: {  	s2 =	sld [smem:$0x3FD9]  }
0x89: {  	s3 =	sld [smem:$0x3FFE];
	_ =	sdelay $0x1  }
0x8a: {  	s1 =	srdreg.scid  }
0x8b: {  	s0 =	sand.u32 $0x1, s1  }
0x8c: {  	s17 =	sshll.u32 s0, $0xA;
	s2 =	sadd.s32 s3, s2  }
0x8d: {  	s2 =	sadd.s32 s2, s17  }
0x8e: {  	[smem:$0x3FC6] =	sst s2  }
0x8f: {  	_ = 	snop  }
0x90: {  	s2 =	sld [smem:$0x3FD0];
	(tm) =	ssettm $0x1  }
0x91: {  	s18 =	sld [smem:$0x3FFB];
	_ =	sdelay $0x3  }
0x92: {  	_ =	strace s18  }
0x93: {  	s3 =	sld [smem:$0x3FFC];
	_ =	sdelay $0x3  }
0x94: {  	_ =	strace s3  }
0x95: {  	s3 =	sld [smem:$0x3FFD];
	_ =	sdelay $0x3  }
0x96: {  	_ =	strace s3  }
0x97: {  	_ =	strace $0x8FFFFFFF  }
0x98: {  	s19 =	sld [smem:$0x3FDB];
	_ =	sdelay $0x1  }
0x99: {  	s4 =	simm.s32 $_scs_section_size  }
0x9a: {  	s5 =	simm.s32 $_size__tile_overlayer_lowered;
	s6 =	simm.s32 $_tile_overlayer_lowered  }
0x9b: {  	s22 =	simm.s32 $0x1BFF;
	s21 =	sshll.u32 s6, $0x1;
	s3 =	sadd.s32 s4, s19  }
0x9c: {  	s7 =	simm.s32 $0x0;
	s20 =	sshll.u32 s5, $0x1;
	s5 =	sadd.s32 s21, s3  }
0x9d: {  	[timem:s7], [sflag:s22] =	dma.local [hbm:s5], s20  }
0x9e: {  	_ =	swait.ge [sflag:s22], s20  }
0x9f: {  	s4 =	ssub.s32 $0x0, s20;
	[sflag:s22] =	ssyncset.done $0x0  }
0xa0: {  	[sflag:s22] =	ssyncadd.s32 s4;
	_ =	sdelay $0x1  }
0xa1: {  	s23 =	simm.s32 $0x1B8B  }
0xa2: {  	_ =	swait.ge [sflag:s23], $0x1  }
0xa3: {  	[sflag:s23] =	ssyncset.done $0x0  }
0xa4: {  	s25 =	simm.s32 $0x1B8E;
	s24 =	sld [smem:$0x3FFE];
	[sflag:s23] =	ssyncadd.s32 $0xFFFFFFFF  }
0xa5: {  	s26 =	simm.s32 $execute0_lowered;
	[smem:$0x3FD2] =	sst s25  }
0xa6: {  	s5 =	sshll.u32 s26, $0x1;
	_ =	strace $0x80000046;
	[dreg:$0x1] =	wrdreg $0xFFFFFFFF  }
0xa7: {  	s28 =	simm.s32 $_size_execute0_lowered;
	s3 =	sadd.s32 s3, s5;
	[dreg:$0x0] =	wrdreg $0x0  }
0xa8: {  	s5 =	sshll.u32 s28, $0x1;
	[dreg:$0x2] =	wrdreg s3  }
0xa9: {  	[dreg:$0x3] =	wrdreg s5  }
0xaa: {  	[dreg:$0x4] =	wrdreg $0xC0  }
0xab: {  	_ =	task [dreg:s7], $0x5FFFF  }
0xac: {  	[dreg:$0x1] =	wrdreg $0xFFFFFFFF  }
0xad: {  	[dreg:$0x0] =	wrdreg $0x60  }
0xae: {  	[dreg:$0x2] =	wrdreg s2  }
0xaf: {  	[dreg:$0x3] =	wrdreg s24  }
0xb0: {  	[dreg:$0x4] =	wrdreg $0x9  }
0xb1: {  	_ =	task.clear_ibuf [dreg:s7], $0x5FFFF;
	_ =	strace $0x90000046  }
0xb2: {  	s29 =	simm.s32 $0x9;
	_ =	strace $0x80000048  }
0xb3: {  	_ =	swait.ge [sflag:s29], $0x1  }
0xb4: {  	[sflag:s29] =	ssyncadd.s32 $0xFFFFFFFF  }
0xb5: {  	_ =	strace $0x90000048  }
0xb6: {  	_ =	sfence  }
0xb7: {  	s30 =	sld [smem:$0x0];
	_ =	sdelay $0x2  }
0xb8: {  	s31 =	sshll.u32 s1, $0xD;
	s1 =	sshrl.u32 s1, $0x2  }
0xb9: {  	s3 =	sand.u32 $0x4000, s31;
	s1 =	sadd.s32 s1, s30  }
0xba: {  	s0 =	sor.u32 s3, s0;
	s1 =	sshll.u32 s1, $0x11  }
0xbb: {  	s0 =	sor.u32 s1, s0  }
0xbc: {  	s0 =	sadd.s32 $0x8F2B, s0  }
0xbd: {  	[sflag:s0] =	ssyncadd.remote.s32 $0x1  }
0xbe: {  	_ =	sfence.sel $0xFFFF  }
0xbf: {  	[dreg:$0x0] =	wrdreg $0xFFFFFFFF;
	(pc) =	sbr.abs _section_cstart, $3  }
0xc0: {  	[dreg:$0x1] =	wrdreg $0xFFFFFFFF  }
0xc1: {  	_ =	task.clear_ibuf [dreg:s7], $0x2FFFF;
	_ =	strace $0x9FFFFFFF  }
0xc2: {  	(tm) =	ssettm $0x7FFFFFFF  }
0xc3: {  	_ =	shalt  }
tec
execute0_lowered:
.L_overlay_start_1:
0x0: {  	(tag) =	ssettag $0x1  }
0x1: {  	s1 =	srdreg.scid;
	s0 =	stileid.u32  }
0x2: {  	s3 =	sand.u32 $0x1, s1;
	s30 =	sshll.u32 s0, $0x1  }
0x3: {  	s18 =	sor.u32 s3, s30  }
0x4: {  	s4 =	smul.u32 $0x500, s18  }
0x5: {  	s13 =	rddreg [dreg:$0x0];
	s5 =	smul.u32 $0x2800, s18;
	s6 =	sor.u32 $0x20, s18  }
0x6: {  	s14 =	rddreg [dreg:$0x1];
	s2 =	simm.s32 $0x0;
	s7 =	smul.u32 $0x500, s6  }
0x7: {  	s1 =	rddreg [dreg:$0x2];
	s8 =	sor.u32 $0x40, s18;
	s6 =	smul.u32 $0x2800, s6  }
0x8: {  	[smem:$0x7FF] =	sst s2;
	s12 =	sadd.s32 $0x800, s14;
	s9 =	smul.u32 $0x500, s8  }
0x9: {  	s14 =	sadd.s32 $0x186800, s14;
	s11 =	sor.u32 $0x60, s18;
	s8 =	smul.u32 $0x2800, s8  }
0xa: {  	p0 =	sgt.u32 s0, $0xD;
	_ =	strace $0x80000047;
	s31 =	smul.u32 $0x500, s11  }
0xb: {  	s3 =	ssub.s32 $0x2, s3;
	s16 =	sor.u32 $0x80, s18;
	s11 =	smul.u32 $0x2800, s11  }
0xc: {  	s10 =	sshrl.u32 s3, $0x1;
	p1 =	sne.s32 s18, $0x1C;
	s17 =	smul.u32 $0x500, s16  }
0xd: {  	s18 =	simm.s32 $0x0;
	s15 =	ssub.s32 s3, s10;
	s16 =	smul.u32 $0x2800, s16  }
.Ltmp0:
0xe: {  	s3 =	sadd.s32 s13, s4;
	s4 =	sadd.s32 s12, s5;
	(pc) =	sbr.rel .LBB2_1-.Ltmp0, $4  }
0xf: {  	s15 =	smax.u32 s15, $0x1;
	s5 =	sadd.s32 s13, s7;
	s6 =	sadd.s32 s12, s6  }
0x10: {  	s7 =	sadd.s32 s13, s9;
	s8 =	sadd.s32 s12, s8;
	s9 =	sadd.s32 s13, s31  }
0x11: {  	s10 =	sadd.s32 s12, s11;
	s11 =	sadd.s32 s13, s17;
	s12 =	sadd.s32 s12, s16  }
0x12: {  	s13 =	sadd.s32 $0x30C00, s13;
	s16 =	simm.s32 $0x1;
	s17 =	simm.s32 $0x2800  }
.LBB2_16:
0x13: {  	v2 =	vld [tilespmem:s21+$0x70]  }
0x14: {  	v3 =	vld [tilespmem:s21+$0x20]  }
0x15: {  	v4 =	vld [tilespmem:s21+$0x30]  }
0x16: {  	v5 =	vld [tilespmem:s21+$0x40]  }
0x17: {  	v6 =	vld [tilespmem:s21+$0x50];
	s19 =	sadd.s32 $0x400, s19  }
0x18: {  	v7 =	vld [tilespmem:s21+$0x60];
	[tilespmem:s19+$0xFFFFFE00] =	vst v0  }
0x19: {  	[tilespmem:s19+$0xFFFFFE80] =	vst v1  }
0x1a: {  	[tilespmem:s19+$0x180] =	vst v2  }
0x1b: {  	[tilespmem:s19+$0xFFFFFF00] =	vst v3  }
0x1c: {  	[tilespmem:s19+$0xFFFFFF80] =	vst v4  }
0x1d: {  	[tilespmem:s19+$0x0] =	vst v5  }
0x1e: {  	[tilespmem:s19+$0x80] =	vst v6  }
0x1f: {  	[tilespmem:s19+$0x100] =	vst v7  }
0x20: {  	[hbm4b:s14+s2] =	stream.linear.scatter [tilespmem:s17], [sflag:$0x1], $0x5000, $0x38;
	[tilespmem:$0x16800] =	vst v63  }
0x21: {  	_ =	swait.ge [sflag:s16], $0x5000  }
0x22: {  	[sflag:s16] =	ssyncset.done $0x0  }
0x23: {  	[sflag:s16] =	ssyncadd.s32 $0xFFFFB000  }
.LBB2_17:
0x24: {  	s18 =	sadd.s32 $0x1, s18  }
0x25: {  	p2 =	sne.s32 s18, s15  }
.Ltmp1:
0x26: {  	_ = 	snop;
	(pc) =	sbr.rel @!p2 .LBB2_18-.Ltmp1, $1  }
0x27: {  	_ =	sdelay $0x3  }
.LBB2_1:
0x28: {  	[tilespmem:s2], [sflag:$0x1] =	stream.linear.gather [hbm4b:s3+s2], $0x2800, $0x38;
	[tilespmem:$0x16800] =	vst v63  }
0x29: {  	_ =	swait.ge [sflag:s16], $0x2800  }
0x2a: {  	[sflag:s16] =	ssyncset.done $0x0  }
0x2b: {  	s20 =	simm.s32 $0x0;
	[sflag:s16] =	ssyncadd.s32 $0xFFFFD800  }
0x2c: {  	v0 =	vld [tilespmem:s20+$0x0]  }
0x2d: {  	v1 =	vld [tilespmem:s20+$0x10]  }
0x2e: {  	v2 =	vld [tilespmem:s20+$0x70]  }
0x2f: {  	v3 =	vld [tilespmem:s20+$0x20]  }
0x30: {  	v4 =	vld [tilespmem:s20+$0x30]  }
0x31: {  	v5 =	vld [tilespmem:s20+$0x40]  }
0x32: {  	s19 =	simm.s32 $0x2A00;
	v6 =	vld [tilespmem:s20+$0x50]  }
0x33: {  	v7 =	vld [tilespmem:s20+$0x60];
	[tilespmem:s19+$0x180] =	vst v2  }
0x34: {  	[tilespmem:s19+$0xFFFFFE00] =	vst v0  }
0x35: {  	[tilespmem:s19+$0xFFFFFE80] =	vst v1  }
0x36: {  	[tilespmem:s19+$0xFFFFFF00] =	vst v3  }
0x37: {  	[tilespmem:s19+$0xFFFFFF80] =	vst v4  }
0x38: {  	[tilespmem:s19+$0x0] =	vst v5  }
0x39: {  	[tilespmem:s19+$0x80] =	vst v6  }
0x3a: {  	s21 =	simm.s32 $0x80;
	[tilespmem:s19+$0x100] =	vst v7  }
0x3b: {  	v0 =	vld [tilespmem:s21+$0x0]  }
0x3c: {  	s20 =	simm.s32 $0x400;
	v1 =	vld [tilespmem:s21+$0x10]  }
.LBB2_2:
0x3d: {  	p2 =	sne.s32 s20, $0x9E00;
	v2 =	vld [tilespmem:s21+$0x70]  }
0x3e: {  	v3 =	vld [tilespmem:s21+$0x20]  }
0x3f: {  	v4 =	vld [tilespmem:s21+$0x30]  }
0x40: {  	v5 =	vld [tilespmem:s21+$0x40]  }
0x41: {  	s19 =	sadd.s32 $0x400, s19;
	v6 =	vld [tilespmem:s21+$0x50]  }
0x42: {  	v7 =	vld [tilespmem:s21+$0x60];
	[tilespmem:s19+$0x180] =	vst v2  }
0x43: {  	[tilespmem:s19+$0xFFFFFE00] =	vst v0  }
0x44: {  	[tilespmem:s19+$0xFFFFFE80] =	vst v1  }
0x45: {  	[tilespmem:s19+$0xFFFFFF00] =	vst v3  }
0x46: {  	[tilespmem:s19+$0xFFFFFF80] =	vst v4  }
.Ltmp2:
0x47: {  	[tilespmem:s19+$0x0] =	vst v5;
	(pc) =	sbr.rel @p2 .LBB2_2-.Ltmp2, $4  }
0x48: {  	[tilespmem:s19+$0x80] =	vst v6  }
0x49: {  	s21 =	sshra.s32 s20, $0x2;
	[tilespmem:s19+$0x100] =	vst v7  }
0x4a: {  	v0 =	vld [tilespmem:s21+$0x0]  }
0x4b: {  	s20 =	sadd.s32 $0x200, s20;
	v1 =	vld [tilespmem:s21+$0x10]  }
0x4c: {  	v2 =	vld [tilespmem:s21+$0x70]  }
0x4d: {  	v3 =	vld [tilespmem:s21+$0x20]  }
0x4e: {  	v4 =	vld [tilespmem:s21+$0x30]  }
0x4f: {  	v5 =	vld [tilespmem:s21+$0x40]  }
0x50: {  	v6 =	vld [tilespmem:s21+$0x50];
	s19 =	sadd.s32 $0x400, s19  }
0x51: {  	v7 =	vld [tilespmem:s21+$0x60];
	[tilespmem:s19+$0xFFFFFE00] =	vst v0  }
0x52: {  	[tilespmem:s19+$0xFFFFFE80] =	vst v1  }
0x53: {  	[tilespmem:s19+$0x180] =	vst v2  }
0x54: {  	[tilespmem:s19+$0xFFFFFF00] =	vst v3  }
0x55: {  	[tilespmem:s19+$0xFFFFFF80] =	vst v4  }
0x56: {  	[tilespmem:s19+$0x0] =	vst v5  }
0x57: {  	[tilespmem:s19+$0x80] =	vst v6  }
0x58: {  	s31 =	simm.s32 $0x0;
	[tilespmem:s19+$0x100] =	vst v7  }
0x59: {  	[hbm4b:s4+s31] =	stream.linear.scatter [tilespmem:s17], [sflag:$0x1], $0x14000, $0x38;
	[tilespmem:$0x16800] =	vst v63  }
0x5a: {  	_ =	swait.ge [sflag:s16], $0x14000  }
0x5b: {  	[sflag:s16] =	ssyncset.done $0x0  }
0x5c: {  	[sflag:s16] =	ssyncadd.s32 $0xFFFEC000  }
0x5d: {  	[tilespmem:s31], [sflag:$0x1] =	stream.linear.gather [hbm4b:s5+s31], $0x2800, $0x38;
	[tilespmem:$0x16800] =	vst v63  }
0x5e: {  	_ =	swait.ge [sflag:s16], $0x2800  }
0x5f: {  	[sflag:s16] =	ssyncset.done $0x0  }
0x60: {  	s20 =	simm.s32 $0x0;
	[sflag:s16] =	ssyncadd.s32 $0xFFFFD800  }
0x61: {  	v0 =	vld [tilespmem:s20+$0x0]  }
0x62: {  	v1 =	vld [tilespmem:s20+$0x10]  }
0x63: {  	v2 =	vld [tilespmem:s20+$0x70]  }
0x64: {  	v3 =	vld [tilespmem:s20+$0x20]  }
0x65: {  	v60 =	vld [tilespmem:s20+$0x30]  }
0x66: {  	v61 =	vld [tilespmem:s20+$0x40]  }
0x67: {  	s19 =	simm.s32 $0x2A00;
	v62 =	vld [tilespmem:s20+$0x50]  }
0x68: {  	v63 =	vld [tilespmem:s20+$0x60];
	[tilespmem:s19+$0x180] =	vst v2  }
0x69: {  	[tilespmem:s19+$0xFFFFFE00] =	vst v0  }
0x6a: {  	[tilespmem:s19+$0xFFFFFE80] =	vst v1  }
0x6b: {  	[tilespmem:s19+$0xFFFFFF00] =	vst v3  }
0x6c: {  	[tilespmem:s19+$0xFFFFFF80] =	vst v60  }
0x6d: {  	[tilespmem:s19+$0x0] =	vst v61  }
0x6e: {  	[tilespmem:s19+$0x80] =	vst v62  }
0x6f: {  	s21 =	simm.s32 $0x80;
	[tilespmem:s19+$0x100] =	vst v63  }
0x70: {  	v0 =	vld [tilespmem:s21+$0x0]  }
0x71: {  	s20 =	simm.s32 $0x400;
	v1 =	vld [tilespmem:s21+$0x10]  }
.LBB2_4:
0x72: {  	p2 =	sne.s32 s20, $0x9E00;
	v2 =	vld [tilespmem:s21+$0x70]  }
0x73: {  	v3 =	vld [tilespmem:s21+$0x20]  }
0x74: {  	v4 =	vld [tilespmem:s21+$0x30]  }
0x75: {  	v5 =	vld [tilespmem:s21+$0x40]  }
0x76: {  	s19 =	sadd.s32 $0x400, s19;
	v6 =	vld [tilespmem:s21+$0x50]  }
0x77: {  	v7 =	vld [tilespmem:s21+$0x60];
	[tilespmem:s19+$0x180] =	vst v2  }
0x78: {  	[tilespmem:s19+$0xFFFFFE00] =	vst v0  }
0x79: {  	[tilespmem:s19+$0xFFFFFE80] =	vst v1  }
0x7a: {  	[tilespmem:s19+$0xFFFFFF00] =	vst v3  }
0x7b: {  	[tilespmem:s19+$0xFFFFFF80] =	vst v4  }
.Ltmp3:
0x7c: {  	[tilespmem:s19+$0x0] =	vst v5;
	(pc) =	sbr.rel @p2 .LBB2_4-.Ltmp3, $4  }
0x7d: {  	[tilespmem:s19+$0x80] =	vst v6  }
0x7e: {  	s21 =	sshra.s32 s20, $0x2;
	[tilespmem:s19+$0x100] =	vst v7  }
0x7f: {  	v0 =	vld [tilespmem:s21+$0x0]  }
0x80: {  	s20 =	sadd.s32 $0x200, s20;
	v1 =	vld [tilespmem:s21+$0x10]  }
0x81: {  	v2 =	vld [tilespmem:s21+$0x70]  }
0x82: {  	v3 =	vld [tilespmem:s21+$0x20]  }
0x83: {  	v4 =	vld [tilespmem:s21+$0x30]  }
0x84: {  	v5 =	vld [tilespmem:s21+$0x40]  }
0x85: {  	v6 =	vld [tilespmem:s21+$0x50];
	s19 =	sadd.s32 $0x400, s19  }
0x86: {  	v7 =	vld [tilespmem:s21+$0x60];
	[tilespmem:s19+$0xFFFFFE00] =	vst v0  }
0x87: {  	[tilespmem:s19+$0xFFFFFE80] =	vst v1  }
0x88: {  	[tilespmem:s19+$0x180] =	vst v2  }
0x89: {  	[tilespmem:s19+$0xFFFFFF00] =	vst v3  }
0x8a: {  	[tilespmem:s19+$0xFFFFFF80] =	vst v4  }
0x8b: {  	[tilespmem:s19+$0x0] =	vst v5  }
0x8c: {  	[tilespmem:s19+$0x80] =	vst v6  }
0x8d: {  	s31 =	simm.s32 $0x0;
	[tilespmem:s19+$0x100] =	vst v7  }
0x8e: {  	[hbm4b:s6+s31] =	stream.linear.scatter [tilespmem:s17], [sflag:$0x1], $0x14000, $0x38;
	[tilespmem:$0x16800] =	vst v63  }
0x8f: {  	_ =	swait.ge [sflag:s16], $0x14000  }
0x90: {  	[sflag:s16] =	ssyncset.done $0x0  }
0x91: {  	[sflag:s16] =	ssyncadd.s32 $0xFFFEC000  }
0x92: {  	[tilespmem:s31], [sflag:$0x1] =	stream.linear.gather [hbm4b:s7+s31], $0x2800, $0x38;
	[tilespmem:$0x16800] =	vst v63  }
0x93: {  	_ =	swait.ge [sflag:s16], $0x2800  }
0x94: {  	[sflag:s16] =	ssyncset.done $0x0  }
0x95: {  	s20 =	simm.s32 $0x0;
	[sflag:s16] =	ssyncadd.s32 $0xFFFFD800  }
0x96: {  	v0 =	vld [tilespmem:s20+$0x0]  }
0x97: {  	v1 =	vld [tilespmem:s20+$0x10]  }
0x98: {  	v2 =	vld [tilespmem:s20+$0x70]  }
0x99: {  	v3 =	vld [tilespmem:s20+$0x20]  }
0x9a: {  	v60 =	vld [tilespmem:s20+$0x30]  }
0x9b: {  	v61 =	vld [tilespmem:s20+$0x40]  }
0x9c: {  	s19 =	simm.s32 $0x2A00;
	v62 =	vld [tilespmem:s20+$0x50]  }
0x9d: {  	v63 =	vld [tilespmem:s20+$0x60];
	[tilespmem:s19+$0x180] =	vst v2  }
0x9e: {  	[tilespmem:s19+$0xFFFFFE00] =	vst v0  }
0x9f: {  	[tilespmem:s19+$0xFFFFFE80] =	vst v1  }
0xa0: {  	[tilespmem:s19+$0xFFFFFF00] =	vst v3  }
0xa1: {  	[tilespmem:s19+$0xFFFFFF80] =	vst v60  }
0xa2: {  	[tilespmem:s19+$0x0] =	vst v61  }
0xa3: {  	[tilespmem:s19+$0x80] =	vst v62  }
0xa4: {  	s21 =	simm.s32 $0x80;
	[tilespmem:s19+$0x100] =	vst v63  }
0xa5: {  	v0 =	vld [tilespmem:s21+$0x0]  }
0xa6: {  	s20 =	simm.s32 $0x400;
	v1 =	vld [tilespmem:s21+$0x10]  }
.LBB2_6:
0xa7: {  	p2 =	sne.s32 s20, $0x9E00;
	v2 =	vld [tilespmem:s21+$0x70]  }
0xa8: {  	v3 =	vld [tilespmem:s21+$0x20]  }
0xa9: {  	v4 =	vld [tilespmem:s21+$0x30]  }
0xaa: {  	v5 =	vld [tilespmem:s21+$0x40]  }
0xab: {  	s19 =	sadd.s32 $0x400, s19;
	v6 =	vld [tilespmem:s21+$0x50]  }
0xac: {  	v7 =	vld [tilespmem:s21+$0x60];
	[tilespmem:s19+$0x180] =	vst v2  }
0xad: {  	[tilespmem:s19+$0xFFFFFE00] =	vst v0  }
0xae: {  	[tilespmem:s19+$0xFFFFFE80] =	vst v1  }
0xaf: {  	[tilespmem:s19+$0xFFFFFF00] =	vst v3  }
0xb0: {  	[tilespmem:s19+$0xFFFFFF80] =	vst v4  }
.Ltmp4:
0xb1: {  	[tilespmem:s19+$0x0] =	vst v5;
	(pc) =	sbr.rel @p2 .LBB2_6-.Ltmp4, $4  }
0xb2: {  	[tilespmem:s19+$0x80] =	vst v6  }
0xb3: {  	s21 =	sshra.s32 s20, $0x2;
	[tilespmem:s19+$0x100] =	vst v7  }
0xb4: {  	v0 =	vld [tilespmem:s21+$0x0]  }
0xb5: {  	s20 =	sadd.s32 $0x200, s20;
	v1 =	vld [tilespmem:s21+$0x10]  }
0xb6: {  	v2 =	vld [tilespmem:s21+$0x70]  }
0xb7: {  	v3 =	vld [tilespmem:s21+$0x20]  }
0xb8: {  	v4 =	vld [tilespmem:s21+$0x30]  }
0xb9: {  	v5 =	vld [tilespmem:s21+$0x40]  }
0xba: {  	v6 =	vld [tilespmem:s21+$0x50];
	s19 =	sadd.s32 $0x400, s19  }
0xbb: {  	v7 =	vld [tilespmem:s21+$0x60];
	[tilespmem:s19+$0xFFFFFE00] =	vst v0  }
0xbc: {  	[tilespmem:s19+$0xFFFFFE80] =	vst v1  }
0xbd: {  	[tilespmem:s19+$0x180] =	vst v2  }
0xbe: {  	[tilespmem:s19+$0xFFFFFF00] =	vst v3  }
0xbf: {  	[tilespmem:s19+$0xFFFFFF80] =	vst v4  }
0xc0: {  	[tilespmem:s19+$0x0] =	vst v5  }
0xc1: {  	[tilespmem:s19+$0x80] =	vst v6  }
0xc2: {  	s31 =	simm.s32 $0x0;
	[tilespmem:s19+$0x100] =	vst v7  }
0xc3: {  	[hbm4b:s8+s31] =	stream.linear.scatter [tilespmem:s17], [sflag:$0x1], $0x14000, $0x38;
	[tilespmem:$0x16800] =	vst v63  }
0xc4: {  	_ =	swait.ge [sflag:s16], $0x14000  }
0xc5: {  	[sflag:s16] =	ssyncset.done $0x0  }
0xc6: {  	[sflag:s16] =	ssyncadd.s32 $0xFFFEC000  }
0xc7: {  	[tilespmem:s31], [sflag:$0x1] =	stream.linear.gather [hbm4b:s9+s31], $0x2800, $0x38;
	[tilespmem:$0x16800] =	vst v63  }
0xc8: {  	_ =	swait.ge [sflag:s16], $0x2800  }
0xc9: {  	[sflag:s16] =	ssyncset.done $0x0  }
0xca: {  	s20 =	simm.s32 $0x0;
	[sflag:s16] =	ssyncadd.s32 $0xFFFFD800  }
0xcb: {  	v0 =	vld [tilespmem:s20+$0x0]  }
0xcc: {  	v1 =	vld [tilespmem:s20+$0x10]  }
0xcd: {  	v2 =	vld [tilespmem:s20+$0x70]  }
0xce: {  	v3 =	vld [tilespmem:s20+$0x20]  }
0xcf: {  	v60 =	vld [tilespmem:s20+$0x30]  }
0xd0: {  	v61 =	vld [tilespmem:s20+$0x40]  }
0xd1: {  	s19 =	simm.s32 $0x2A00;
	v62 =	vld [tilespmem:s20+$0x50]  }
0xd2: {  	v63 =	vld [tilespmem:s20+$0x60];
	[tilespmem:s19+$0x180] =	vst v2  }
0xd3: {  	[tilespmem:s19+$0xFFFFFE00] =	vst v0  }
0xd4: {  	[tilespmem:s19+$0xFFFFFE80] =	vst v1  }
0xd5: {  	[tilespmem:s19+$0xFFFFFF00] =	vst v3  }
0xd6: {  	[tilespmem:s19+$0xFFFFFF80] =	vst v60  }
0xd7: {  	[tilespmem:s19+$0x0] =	vst v61  }
0xd8: {  	[tilespmem:s19+$0x80] =	vst v62  }
0xd9: {  	s21 =	simm.s32 $0x80;
	[tilespmem:s19+$0x100] =	vst v63  }
0xda: {  	v0 =	vld [tilespmem:s21+$0x0]  }
0xdb: {  	s20 =	simm.s32 $0x400;
	v1 =	vld [tilespmem:s21+$0x10]  }
.LBB2_8:
0xdc: {  	p2 =	sne.s32 s20, $0x9E00;
	v2 =	vld [tilespmem:s21+$0x70]  }
0xdd: {  	v3 =	vld [tilespmem:s21+$0x20]  }
0xde: {  	v4 =	vld [tilespmem:s21+$0x30]  }
0xdf: {  	v5 =	vld [tilespmem:s21+$0x40]  }
0xe0: {  	s19 =	sadd.s32 $0x400, s19;
	v6 =	vld [tilespmem:s21+$0x50]  }
0xe1: {  	v7 =	vld [tilespmem:s21+$0x60];
	[tilespmem:s19+$0x180] =	vst v2  }
0xe2: {  	[tilespmem:s19+$0xFFFFFE00] =	vst v0  }
0xe3: {  	[tilespmem:s19+$0xFFFFFE80] =	vst v1  }
0xe4: {  	[tilespmem:s19+$0xFFFFFF00] =	vst v3  }
0xe5: {  	[tilespmem:s19+$0xFFFFFF80] =	vst v4  }
.Ltmp5:
0xe6: {  	[tilespmem:s19+$0x0] =	vst v5;
	(pc) =	sbr.rel @p2 .LBB2_8-.Ltmp5, $4  }
0xe7: {  	[tilespmem:s19+$0x80] =	vst v6  }
0xe8: {  	s21 =	sshra.s32 s20, $0x2;
	[tilespmem:s19+$0x100] =	vst v7  }
0xe9: {  	v0 =	vld [tilespmem:s21+$0x0]  }
0xea: {  	s20 =	sadd.s32 $0x200, s20;
	v1 =	vld [tilespmem:s21+$0x10]  }
0xeb: {  	v2 =	vld [tilespmem:s21+$0x70]  }
0xec: {  	v3 =	vld [tilespmem:s21+$0x20]  }
0xed: {  	v4 =	vld [tilespmem:s21+$0x30]  }
0xee: {  	v5 =	vld [tilespmem:s21+$0x40]  }
0xef: {  	v6 =	vld [tilespmem:s21+$0x50];
	s19 =	sadd.s32 $0x400, s19  }
0xf0: {  	v7 =	vld [tilespmem:s21+$0x60];
	[tilespmem:s19+$0xFFFFFE00] =	vst v0  }
0xf1: {  	[tilespmem:s19+$0xFFFFFE80] =	vst v1  }
0xf2: {  	[tilespmem:s19+$0x180] =	vst v2  }
0xf3: {  	[tilespmem:s19+$0xFFFFFF00] =	vst v3  }
0xf4: {  	[tilespmem:s19+$0xFFFFFF80] =	vst v4  }
0xf5: {  	[tilespmem:s19+$0x0] =	vst v5  }
0xf6: {  	[tilespmem:s19+$0x80] =	vst v6  }
.Ltmp6:
0xf7: {  	[tilespmem:s19+$0x100] =	vst v7;
	(pc) =	sbr.rel @p0 .LBB2_13-.Ltmp6, $4  }
0xf8: {  	[hbm4b:s10+s2] =	stream.linear.scatter [tilespmem:s17], [sflag:$0x1], $0x14000, $0x38;
	[tilespmem:$0x16800] =	vst v63  }
0xf9: {  	_ =	swait.ge [sflag:s16], $0x14000  }
0xfa: {  	[sflag:s16] =	ssyncset.done $0x0  }
0xfb: {  	[sflag:s16] =	ssyncadd.s32 $0xFFFEC000  }
0xfc: {  	s19 =	simm.s32 $0x0  }
0xfd: {  	[tilespmem:s19], [sflag:$0x1] =	stream.linear.gather [hbm4b:s11+s19], $0x2800, $0x38;
	[tilespmem:$0x16800] =	vst v63  }
0xfe: {  	_ =	swait.ge [sflag:s16], $0x2800  }
0xff: {  	[sflag:s16] =	ssyncset.done $0x0  }
0x100: {  	s20 =	simm.s32 $0x0;
	[sflag:s16] =	ssyncadd.s32 $0xFFFFD800  }
0x101: {  	v0 =	vld [tilespmem:s20+$0x0]  }
0x102: {  	v1 =	vld [tilespmem:s20+$0x10]  }
0x103: {  	v2 =	vld [tilespmem:s20+$0x70]  }
0x104: {  	v3 =	vld [tilespmem:s20+$0x20]  }
0x105: {  	v4 =	vld [tilespmem:s20+$0x30]  }
0x106: {  	v5 =	vld [tilespmem:s20+$0x40]  }
0x107: {  	s19 =	simm.s32 $0x2A00;
	v6 =	vld [tilespmem:s20+$0x50]  }
0x108: {  	v7 =	vld [tilespmem:s20+$0x60];
	[tilespmem:s19+$0x180] =	vst v2  }
0x109: {  	[tilespmem:s19+$0xFFFFFE00] =	vst v0  }
0x10a: {  	[tilespmem:s19+$0xFFFFFE80] =	vst v1  }
0x10b: {  	[tilespmem:s19+$0xFFFFFF00] =	vst v3  }
0x10c: {  	[tilespmem:s19+$0xFFFFFF80] =	vst v4  }
0x10d: {  	[tilespmem:s19+$0x0] =	vst v5  }
0x10e: {  	[tilespmem:s19+$0x80] =	vst v6  }
0x10f: {  	s21 =	simm.s32 $0x80;
	[tilespmem:s19+$0x100] =	vst v7  }
0x110: {  	v0 =	vld [tilespmem:s21+$0x0]  }
0x111: {  	s20 =	simm.s32 $0x400;
	v1 =	vld [tilespmem:s21+$0x10]  }
.LBB2_11:
0x112: {  	p2 =	sne.s32 s20, $0x9E00;
	v2 =	vld [tilespmem:s21+$0x70]  }
0x113: {  	v3 =	vld [tilespmem:s21+$0x20]  }
0x114: {  	v4 =	vld [tilespmem:s21+$0x30]  }
0x115: {  	v5 =	vld [tilespmem:s21+$0x40]  }
0x116: {  	s19 =	sadd.s32 $0x400, s19;
	v6 =	vld [tilespmem:s21+$0x50]  }
0x117: {  	v7 =	vld [tilespmem:s21+$0x60];
	[tilespmem:s19+$0x180] =	vst v2  }
0x118: {  	[tilespmem:s19+$0xFFFFFE00] =	vst v0  }
0x119: {  	[tilespmem:s19+$0xFFFFFE80] =	vst v1  }
0x11a: {  	[tilespmem:s19+$0xFFFFFF00] =	vst v3  }
0x11b: {  	[tilespmem:s19+$0xFFFFFF80] =	vst v4  }
.Ltmp7:
0x11c: {  	[tilespmem:s19+$0x0] =	vst v5;
	(pc) =	sbr.rel @p2 .LBB2_11-.Ltmp7, $4  }
0x11d: {  	[tilespmem:s19+$0x80] =	vst v6  }
0x11e: {  	s21 =	sshra.s32 s20, $0x2;
	[tilespmem:s19+$0x100] =	vst v7  }
0x11f: {  	v0 =	vld [tilespmem:s21+$0x0]  }
0x120: {  	s20 =	sadd.s32 $0x200, s20;
	v1 =	vld [tilespmem:s21+$0x10]  }
0x121: {  	v2 =	vld [tilespmem:s21+$0x70]  }
0x122: {  	v3 =	vld [tilespmem:s21+$0x20]  }
0x123: {  	v4 =	vld [tilespmem:s21+$0x30]  }
0x124: {  	v5 =	vld [tilespmem:s21+$0x40]  }
0x125: {  	v6 =	vld [tilespmem:s21+$0x50];
	s19 =	sadd.s32 $0x400, s19  }
0x126: {  	v7 =	vld [tilespmem:s21+$0x60];
	[tilespmem:s19+$0xFFFFFE00] =	vst v0  }
0x127: {  	[tilespmem:s19+$0xFFFFFE80] =	vst v1  }
0x128: {  	[tilespmem:s19+$0x180] =	vst v2  }
0x129: {  	[tilespmem:s19+$0xFFFFFF00] =	vst v3  }
0x12a: {  	[tilespmem:s19+$0xFFFFFF80] =	vst v4  }
0x12b: {  	[tilespmem:s19+$0x0] =	vst v5  }
0x12c: {  	[tilespmem:s19+$0x80] =	vst v6  }
0x12d: {  	[tilespmem:s19+$0x100] =	vst v7  }
0x12e: {  	[hbm4b:s12+s2] =	stream.linear.scatter [tilespmem:s17], [sflag:$0x1], $0x14000, $0x38;
	[tilespmem:$0x16800] =	vst v63  }
0x12f: {  	_ =	swait.ge [sflag:s16], $0x14000  }
0x130: {  	[sflag:s16] =	ssyncset.done $0x0  }
0x131: {  	[sflag:s16] =	ssyncadd.s32 $0xFFFEC000  }
.LBB2_13:
.Ltmp8:
0x132: {  	(pc) =	sbr.rel @p1 .LBB2_17-.Ltmp8, $1  }
0x133: {  	_ =	sdelay $0x3  }
0x134: {  	s19 =	simm.s32 $0x0  }
0x135: {  	[tilespmem:s19], [sflag:$0x1] =	stream.linear.gather [hbm4b:s13+s19], $0xC00, $0x38;
	[tilespmem:$0x16800] =	vst v63  }
0x136: {  	_ =	swait.ge [sflag:s16], $0xC00  }
0x137: {  	[sflag:s16] =	ssyncset.done $0x0  }
0x138: {  	s20 =	simm.s32 $0x0;
	[sflag:s16] =	ssyncadd.s32 $0xFFFFF400  }
0x139: {  	v0 =	vld [tilespmem:s20+$0x0]  }
0x13a: {  	v1 =	vld [tilespmem:s20+$0x10]  }
0x13b: {  	v2 =	vld [tilespmem:s20+$0x70]  }
0x13c: {  	v3 =	vld [tilespmem:s20+$0x20]  }
0x13d: {  	v4 =	vld [tilespmem:s20+$0x30]  }
0x13e: {  	v5 =	vld [tilespmem:s20+$0x40]  }
0x13f: {  	s19 =	simm.s32 $0x2A00;
	v6 =	vld [tilespmem:s20+$0x50]  }
0x140: {  	v7 =	vld [tilespmem:s20+$0x60];
	[tilespmem:s19+$0x180] =	vst v2  }
0x141: {  	[tilespmem:s19+$0xFFFFFE00] =	vst v0  }
0x142: {  	[tilespmem:s19+$0xFFFFFE80] =	vst v1  }
0x143: {  	[tilespmem:s19+$0xFFFFFF00] =	vst v3  }
0x144: {  	[tilespmem:s19+$0xFFFFFF80] =	vst v4  }
0x145: {  	[tilespmem:s19+$0x0] =	vst v5  }
0x146: {  	[tilespmem:s19+$0x80] =	vst v6  }
0x147: {  	s21 =	simm.s32 $0x80;
	[tilespmem:s19+$0x100] =	vst v7  }
0x148: {  	v0 =	vld [tilespmem:s21+$0x0]  }
0x149: {  	s20 =	simm.s32 $0x400;
	v1 =	vld [tilespmem:s21+$0x10]  }
.LBB2_15:
0x14a: {  	p2 =	sne.s32 s20, $0x2600;
	v2 =	vld [tilespmem:s21+$0x70]  }
0x14b: {  	v3 =	vld [tilespmem:s21+$0x20]  }
0x14c: {  	v4 =	vld [tilespmem:s21+$0x30]  }
0x14d: {  	v5 =	vld [tilespmem:s21+$0x40]  }
0x14e: {  	s19 =	sadd.s32 $0x400, s19;
	v6 =	vld [tilespmem:s21+$0x50]  }
0x14f: {  	v7 =	vld [tilespmem:s21+$0x60];
	[tilespmem:s19+$0x180] =	vst v2  }
0x150: {  	[tilespmem:s19+$0xFFFFFE00] =	vst v0  }
0x151: {  	[tilespmem:s19+$0xFFFFFE80] =	vst v1  }
0x152: {  	[tilespmem:s19+$0xFFFFFF00] =	vst v3  }
0x153: {  	[tilespmem:s19+$0xFFFFFF80] =	vst v4  }
.Ltmp9:
0x154: {  	[tilespmem:s19+$0x0] =	vst v5;
	(pc) =	sbr.rel @p2 .LBB2_15-.Ltmp9, $4  }
0x155: {  	[tilespmem:s19+$0x80] =	vst v6  }
0x156: {  	s21 =	sshra.s32 s20, $0x2;
	[tilespmem:s19+$0x100] =	vst v7  }
0x157: {  	v0 =	vld [tilespmem:s21+$0x0]  }
0x158: {  	s20 =	sadd.s32 $0x200, s20;
	v1 =	vld [tilespmem:s21+$0x10]  }
.Ltmp10:
0x159: {  	_ = 	snop;
	(pc) =	sbr.rel .LBB2_16-.Ltmp10, $1  }
0x15a: {  	_ =	sdelay $0x3  }
.LBB2_18:
0x15b: {  	_ =	sfence.sel $0x180000  }
0x15c: {  	[bflag:$0x0] =	sbarrier.arrive $0xFFFF  }
0x15d: {  	p0 =	sne.s32 s0, $0x0;
	_ =	strace $0x90000047  }
0x15e: {  	s0 =	sadd.s32 @!p0 $0x100000, s1;
	[bflag:$0x2] =	sbarrier.arrive $0xFFFF  }
0x15f: {  	[sflag:s0] =	ssyncadd.tile.s32 @!p0 $0x1;
	_ =	shalt  }
.Lfunc_end2:
_tile_overlayer_lowered:
.L_overlay_start_2:
0x160: {  	(tag) =	ssettag $0x2  }
0x161: {  	s0 =	rddreg [dreg:$0x0];
	s2 =	stileid.u32  }
0x162: {  	s1 =	rddreg [dreg:$0x1];
	p0 =	sne.s32 s2, $0x0  }
0x163: {  	s3 =	rddreg [dreg:$0x2];
	[bflag:$0x3] =	sbarrier.arrive $0xFFFF;
	s2 =	simm.s32 @!p0 $0x1C01  }
0x164: {  	[timem:s3], [sflag:s2] =	dma.local @!p0 [hbm:s0], s1  }
0x165: {  	s0 =	simm.s32 @!p0 $0x1  }
0x166: {  	_ =	swait.ge @!p0 [sflag:s0], s1  }
0x167: {  	s1 =	ssub.s32 @!p0 $0x0, s1;
	[sflag:s0] =	ssyncset.done @!p0 $0x0  }
0x168: {  	[sflag:s0] =	ssyncadd.s32 @!p0 s1  }
0x169: {  	[bflag:$0x3] =	sbarrier.arrive $0xFFFF  }
0x16a: {  	_ =	shalt  }

</sc_bundles>
